<compile_context>
chip_gen: v7x
topology: tpu7x:2x2x1
jax: 0.10.2.dev20260603
libtpu: 0.0.44.dev20260713+nightly
codegen_flags: <defaults>
</compile_context>

<pallas_src>
import functools

import jax
import jax.numpy as jnp
from jax import lax
from jax.experimental import pallas as pl
from jax.experimental.pallas import tpu as pltpu
from jax.experimental.pallas import tpu_sc as plsc

N_NODES = 10000
N_EDGES = 320000
N_STEPS = 64
EQ_STEPS = 16

NSUB = 16
NCORES = 2
LANES = 16


def _tanh(x):
    e = jnp.exp(2.0 * x)
    return 1.0 - 2.0 / (e + 1.0)


def _make_kernel(n_pad, e_per_w, n_steps, eq_steps):
    seg = n_pad // NSUB
    n_chunks = seg // LANES
    e_chunks = e_per_w // LANES
    total_steps = n_steps + eq_steps

    mesh = plsc.VectorSubcoreMesh(
        core_axis_name="c", subcore_axis_name="s",
        num_cores=NCORES, num_subcores=NSUB)

    @functools.partial(
        pl.kernel,
        out_type=jax.ShapeDtypeStruct((n_steps, n_pad), jnp.float32),
        mesh=mesh,
        compiler_params=pltpu.CompilerParams(needs_layout_passes=False),
        scratch_types=[
            pltpu.VMEM((n_pad,), jnp.float32),
            pltpu.VMEM((e_per_w,), jnp.int32),
            pltpu.VMEM((e_per_w,), jnp.int32),
            pltpu.VMEM((e_per_w,), jnp.float32),
            pltpu.VMEM((n_pad,), jnp.float32),
            pltpu.VMEM((NSUB, seg), jnp.float32),
            pltpu.VMEM((seg,), jnp.float32),
            pltpu.VMEM_SHARED((NSUB, n_pad), jnp.float32),
            pltpu.VMEM_SHARED((n_pad,), jnp.float32),
        ],
    )
    def k(a0_hbm, src_hbm, dst_hbm, w_hbm, out_hbm,
          a_local, src_v, dst_v, w_v, acc, red, act, accs_sh, act_sh):
        cid = lax.axis_index("c")
        sid = lax.axis_index("s")
        base = sid * seg
        ebase = sid * e_per_w

        pltpu.sync_copy(a0_hbm, a_local)
        pltpu.sync_copy(src_hbm.at[pl.ds(ebase, e_per_w)], src_v)
        pltpu.sync_copy(dst_hbm.at[pl.ds(ebase, e_per_w)], dst_v)
        pltpu.sync_copy(w_hbm.at[pl.ds(ebase, e_per_w)], w_v)

        zero16f = jnp.zeros((LANES,), jnp.float32)

        def step(t, _unused):
            def zero_body(i, _):
                acc[pl.ds(i * LANES * 8, LANES)] = zero16f
                acc[pl.ds(i * LANES * 8 + 16, LANES)] = zero16f
                acc[pl.ds(i * LANES * 8 + 32, LANES)] = zero16f
                acc[pl.ds(i * LANES * 8 + 48, LANES)] = zero16f
                acc[pl.ds(i * LANES * 8 + 64, LANES)] = zero16f
                acc[pl.ds(i * LANES * 8 + 80, LANES)] = zero16f
                acc[pl.ds(i * LANES * 8 + 96, LANES)] = zero16f
                acc[pl.ds(i * LANES * 8 + 112, LANES)] = zero16f
                return 0
            lax.fori_loop(0, n_pad // (LANES * 8), zero_body, 0)

            unroll = 8

            def edge_body(cU, _):
                for u in range(unroll):
                    o = (cU * unroll + u) * LANES
                    idx = src_v[pl.ds(o, LANES)]
                    d = dst_v[pl.ds(o, LANES)]
                    wv = w_v[pl.ds(o, LANES)]
                    vals = plsc.load_gather(a_local, [idx])
                    plsc.addupdate_scatter(acc, [d], wv * vals)
                return 0
            lax.fori_loop(0, e_chunks // unroll, edge_body, 0)

            pltpu.sync_copy(acc, accs_sh.at[sid])
            plsc.subcore_barrier()
            pltpu.sync_copy(accs_sh.at[:, pl.ds(base, seg)], red)

            def act_body(nc, _):
                o = nc * LANES
                vs = [red[r, pl.ds(o, LANES)] for r in range(NSUB)]
                while len(vs) > 1:
                    vs = [a + b for a, b in zip(vs[::2], vs[1::2])]
                agg = vs[0]
                prev = a_local[pl.ds(base + o, LANES)]
                act[pl.ds(o, LANES)] = _tanh(agg + 0.9 * prev)
                return 0
            lax.fori_loop(0, n_chunks, act_body, 0)

            @pl.when(jnp.logical_and(t >= eq_steps, cid == 0))
            def _():
                pltpu.sync_copy(act, out_hbm.at[t - eq_steps, pl.ds(base, seg)])

            pltpu.sync_copy(act, act_sh.at[pl.ds(base, seg)])
            plsc.subcore_barrier()
            pltpu.sync_copy(act_sh, a_local)
            plsc.subcore_barrier()
            return 0

        lax.fori_loop(0, total_steps, step, 0)

    return k


def kernel(x, edge_index, W):
    n_pad = 10240
    e_per_w = 20480
    e_tot = e_per_w * NSUB
    a0 = jnp.concatenate(
        [x[:, -1], jnp.zeros((n_pad - N_NODES,), jnp.float32)])
    n_real = N_EDGES // NSUB
    pad = e_per_w - n_real
    src = edge_index[0].astype(jnp.int32).reshape(NSUB, n_real)
    dst = edge_index[1].astype(jnp.int32).reshape(NSUB, n_real)
    w2 = W.reshape(NSUB, n_real)
    zi = jnp.zeros((NSUB, pad), jnp.int32)
    zf = jnp.zeros((NSUB, pad), jnp.float32)
    src_g = jnp.concatenate([src, zi], axis=1).reshape(e_tot)
    dst_g = jnp.concatenate([dst, zi], axis=1).reshape(e_tot)
    w_g = jnp.concatenate([w2, zf], axis=1).reshape(e_tot)
    k = _make_kernel(n_pad, e_per_w, N_STEPS, EQ_STEPS)
    out = k(a0, src_g, dst_g, w_g)
    return out[:, :N_NODES]

# --- scband reference (transcript-rebuilt; emitter-appended) ---
"""Pipeline reference for scband-abstract-model-28707561406550 (READ-ONLY COPY).

The authoritative reference and input builder live on the scoring server;
editing this copy changes nothing except your own understanding.
"""

import jax, jax.numpy as jnp
import numpy as np

N_NODES = 10000
N_EDGES = 320000
D_HIST = 16
N_STEPS = 64
EQ_STEPS = 16


def setup_inputs(seed: int = 0) -> dict:
    key = jax.random.key(seed)
    k1, k2, k3 = jax.random.split(key, 3)
    x = jax.random.normal(k1, (N_NODES, D_HIST), dtype=jnp.float32)
    edge_index = jax.random.randint(k2, (2, N_EDGES), 0, N_NODES, dtype=jnp.int32)
    W = jax.random.normal(k3, (N_EDGES,), dtype=jnp.float32) * 0.1
    return {"x": x, "edge_index": edge_index, "W": W}


def _layer(x, edge_index, W):
    # One synaptic propagation step: gather presynaptic state (last column of
    # the history window), weight by per-edge synaptic weight W, scatter-add
    # into postsynaptic neurons, leaky-integrate, and shift the history window.
    src = edge_index[0]
    dst = edge_index[1]
    msg = W * x[src, -1]
    agg = jax.ops.segment_sum(msg, dst, num_segments=N_NODES)
    act = jnp.tanh(agg + 0.9 * x[:, -1])
    return jnp.concatenate([x[:, 1:], act[:, None]], axis=1)


def reference(x, edge_index, W):
    # _equilibrate: run the dynamics without recording
    for _ in range(EQ_STEPS):
        x = _layer(x, edge_index, W)
    # main simulation loop: record the spike/activation trace each step
    # (dense [n_steps, N] analog of the sparse spike registry in the torch code)
    outs = []
    for _ in range(N_STEPS):
        x = _layer(x, edge_index, W)
        outs.append(x[:, -1])
    return jnp.stack(outs, axis=0)

if __name__ == "__main__":
    import jax
    _d = setup_inputs()
    print(jax.jit(kernel)(*tuple(_d.values())))

</pallas_src>

<mosaic_0001>
#map = affine_map<(d0, d1) -> (0)>
#map1 = affine_map<(d0, d1) -> (0, 0)>
module attributes {stable_mosaic.version = 14 : i64} {
  func.func @k(%arg0: i32, %arg1: i32, %arg2: memref<10240xf32, #tpu.memory_space<hbm>>, %arg3: memref<327680xi32, #tpu.memory_space<hbm>>, %arg4: memref<327680xi32, #tpu.memory_space<hbm>>, %arg5: memref<327680xf32, #tpu.memory_space<hbm>>, %arg6: memref<64x10240xf32, #tpu.memory_space<hbm>>, %arg7: memref<10240xf32, #tpu.memory_space<vmem>>, %arg8: memref<20480xi32, #tpu.memory_space<vmem>>, %arg9: memref<20480xi32, #tpu.memory_space<vmem>>, %arg10: memref<20480xf32, #tpu.memory_space<vmem>>, %arg11: memref<10240xf32, #tpu.memory_space<vmem>>, %arg12: memref<16x640xf32, #tpu.memory_space<vmem>>, %arg13: memref<640xf32, #tpu.memory_space<vmem>>, %arg14: memref<16x10240xf32, #tpu.memory_space<vmem_shared>>, %arg15: memref<10240xf32, #tpu.memory_space<vmem_shared>>) attributes {dimension_semantics = [#tpu.dimension_semantics<core_parallel>, #tpu.dimension_semantics<subcore_parallel>], iteration_bounds = array<i64: 2, 16>, scalar_prefetch = 0 : i64, scratch_operands = 9 : i64, tpu.core_type = #tpu.core_type<sc_vector_subcore>, window_params = [{transform_indices = #map}, {transform_indices = #map}, {transform_indices = #map}, {transform_indices = #map}, {transform_indices = #map1}]} {
    %mul3A = arith.constant 640 : i32
    %mul3A_0 = arith.muli %arg1, %mul3A : i32
    %mul3A_1 = arith.constant 20480 : i32
    %mul3A_2 = arith.muli %arg1, %mul3A_1 : i32
    "tpu.region"() ({
      %run_scoped3A = tpu.sem_alloc : memref<!tpu.dma_semaphore, #tpu.memory_space<semaphore_mem>>
      tpu.enqueue_dma source(%arg2 : memref<10240xf32, #tpu.memory_space<hbm>>) target(%arg7 : memref<10240xf32, #tpu.memory_space<vmem>>) target_semaphore(%run_scoped3A : memref<!tpu.dma_semaphore, #tpu.memory_space<semaphore_mem>>)
      tpu.wait_dma2 semaphore(%run_scoped3A : memref<!tpu.dma_semaphore, #tpu.memory_space<semaphore_mem>>) src(%arg2 : memref<10240xf32, #tpu.memory_space<hbm>>) dst(%arg7 : memref<10240xf32, #tpu.memory_space<vmem>>)
      tpu.yield
    }) : () -> ()
    "tpu.region"() ({
      %run_scoped3A = tpu.sem_alloc : memref<!tpu.dma_semaphore, #tpu.memory_space<semaphore_mem>>
      %dma_start3A = tpu.memref_slice %arg3[%mul3A_2] : memref<327680xi32, #tpu.memory_space<hbm>> -> memref<20480xi32, #tpu.memory_space<hbm>>
      %dma_start3A_10 = tpu.memref_slice %arg3[%mul3A_2] : memref<327680xi32, #tpu.memory_space<hbm>> -> memref<20480xi32, #tpu.memory_space<hbm>>
      tpu.enqueue_dma source(%dma_start3A_10 : memref<20480xi32, #tpu.memory_space<hbm>>) target(%arg8 : memref<20480xi32, #tpu.memory_space<vmem>>) target_semaphore(%run_scoped3A : memref<!tpu.dma_semaphore, #tpu.memory_space<semaphore_mem>>)
      %dma_wait3A = tpu.memref_slice %arg3[%mul3A_2] : memref<327680xi32, #tpu.memory_space<hbm>> -> memref<20480xi32, #tpu.memory_space<hbm>>
      %dma_wait3A_11 = tpu.memref_slice %arg3[%mul3A_2] : memref<327680xi32, #tpu.memory_space<hbm>> -> memref<20480xi32, #tpu.memory_space<hbm>>
      tpu.wait_dma2 semaphore(%run_scoped3A : memref<!tpu.dma_semaphore, #tpu.memory_space<semaphore_mem>>) src(%dma_wait3A_11 : memref<20480xi32, #tpu.memory_space<hbm>>) dst(%arg8 : memref<20480xi32, #tpu.memory_space<vmem>>)
      tpu.yield
    }) : () -> ()
    "tpu.region"() ({
      %run_scoped3A = tpu.sem_alloc : memref<!tpu.dma_semaphore, #tpu.memory_space<semaphore_mem>>
      %dma_start3A = tpu.memref_slice %arg4[%mul3A_2] : memref<327680xi32, #tpu.memory_space<hbm>> -> memref<20480xi32, #tpu.memory_space<hbm>>
      %dma_start3A_10 = tpu.memref_slice %arg4[%mul3A_2] : memref<327680xi32, #tpu.memory_space<hbm>> -> memref<20480xi32, #tpu.memory_space<hbm>>
      tpu.enqueue_dma source(%dma_start3A_10 : memref<20480xi32, #tpu.memory_space<hbm>>) target(%arg9 : memref<20480xi32, #tpu.memory_space<vmem>>) target_semaphore(%run_scoped3A : memref<!tpu.dma_semaphore, #tpu.memory_space<semaphore_mem>>)
      %dma_wait3A = tpu.memref_slice %arg4[%mul3A_2] : memref<327680xi32, #tpu.memory_space<hbm>> -> memref<20480xi32, #tpu.memory_space<hbm>>
      %dma_wait3A_11 = tpu.memref_slice %arg4[%mul3A_2] : memref<327680xi32, #tpu.memory_space<hbm>> -> memref<20480xi32, #tpu.memory_space<hbm>>
      tpu.wait_dma2 semaphore(%run_scoped3A : memref<!tpu.dma_semaphore, #tpu.memory_space<semaphore_mem>>) src(%dma_wait3A_11 : memref<20480xi32, #tpu.memory_space<hbm>>) dst(%arg9 : memref<20480xi32, #tpu.memory_space<vmem>>)
      tpu.yield
    }) : () -> ()
    "tpu.region"() ({
      %run_scoped3A = tpu.sem_alloc : memref<!tpu.dma_semaphore, #tpu.memory_space<semaphore_mem>>
      %dma_start3A = tpu.memref_slice %arg5[%mul3A_2] : memref<327680xf32, #tpu.memory_space<hbm>> -> memref<20480xf32, #tpu.memory_space<hbm>>
      %dma_start3A_10 = tpu.memref_slice %arg5[%mul3A_2] : memref<327680xf32, #tpu.memory_space<hbm>> -> memref<20480xf32, #tpu.memory_space<hbm>>
      tpu.enqueue_dma source(%dma_start3A_10 : memref<20480xf32, #tpu.memory_space<hbm>>) target(%arg10 : memref<20480xf32, #tpu.memory_space<vmem>>) target_semaphore(%run_scoped3A : memref<!tpu.dma_semaphore, #tpu.memory_space<semaphore_mem>>)
      %dma_wait3A = tpu.memref_slice %arg5[%mul3A_2] : memref<327680xf32, #tpu.memory_space<hbm>> -> memref<20480xf32, #tpu.memory_space<hbm>>
      %dma_wait3A_11 = tpu.memref_slice %arg5[%mul3A_2] : memref<327680xf32, #tpu.memory_space<hbm>> -> memref<20480xf32, #tpu.memory_space<hbm>>
      tpu.wait_dma2 semaphore(%run_scoped3A : memref<!tpu.dma_semaphore, #tpu.memory_space<semaphore_mem>>) src(%dma_wait3A_11 : memref<20480xf32, #tpu.memory_space<hbm>>) dst(%arg10 : memref<20480xf32, #tpu.memory_space<vmem>>)
      tpu.yield
    }) : () -> ()
    %broadcast_in_dim3A = arith.constant 0.000000e+00 : f32
    %broadcast_in_dim3A_3 = vector.broadcast %broadcast_in_dim3A : f32 to vector<16xf32>
    %scan3A = arith.constant 0 : i32
    %scan3A_4 = arith.constant 0 : i32
    %scan3A_5 = arith.constant 80 : i32
    %scan3A_6 = arith.addi %scan3A_4, %scan3A_5 : i32
    %scan3A_7 = arith.constant 1 : i32
    %scan3A_8 = scf.for %scan3A_10 = %scan3A_4 to %scan3A_6 step %scan3A_7 iter_args(%scan3A_11 = %scan3A) -> (i32)  : i32 {
      %scan3A_12 = arith.constant 0 : i32
      %scan3A_13 = arith.constant 0 : i32
      %scan3A_14 = arith.constant 80 : i32
      %scan3A_15 = arith.addi %scan3A_13, %scan3A_14 : i32
      %scan3A_16 = arith.constant 1 : i32
      %scan3A_17 = scf.for %scan3A_39 = %scan3A_13 to %scan3A_15 step %scan3A_16 iter_args(%scan3A_40 = %scan3A_12) -> (i32)  : i32 {
        %mul3A_41 = arith.constant 16 : i32
        %mul3A_42 = arith.muli %scan3A_39, %mul3A_41 : i32
        %mul3A_43 = arith.constant 8 : i32
        %mul3A_44 = arith.muli %mul3A_42, %mul3A_43 : i32
        %swap3A = arith.index_cast %mul3A_44 : i32 to index
        %swap3A_45 = tpu.vector_load %arg11[%swap3A] {strides = array<i32>} : memref<10240xf32, #tpu.memory_space<vmem>>, vector<16xf32>,
        tpu.vector_store %arg11[%swap3A], %broadcast_in_dim3A_3 {strides = array<i32>} : memref<10240xf32, #tpu.memory_space<vmem>>, vector<16xf32>,
        %mul3A_46 = arith.constant 16 : i32
        %mul3A_47 = arith.muli %scan3A_39, %mul3A_46 : i32
        %mul3A_48 = arith.constant 8 : i32
        %mul3A_49 = arith.muli %mul3A_47, %mul3A_48 : i32
        %add3A = arith.constant 16 : i32
        %add3A_50 = arith.addi %mul3A_49, %add3A : i32
        %swap3A_51 = arith.index_cast %add3A_50 : i32 to index
        %swap3A_52 = tpu.vector_load %arg11[%swap3A_51] {strides = array<i32>} : memref<10240xf32, #tpu.memory_space<vmem>>, vector<16xf32>,
        tpu.vector_store %arg11[%swap3A_51], %broadcast_in_dim3A_3 {strides = array<i32>} : memref<10240xf32, #tpu.memory_space<vmem>>, vector<16xf32>,
        %mul3A_53 = arith.constant 16 : i32
        %mul3A_54 = arith.muli %scan3A_39, %mul3A_53 : i32
        %mul3A_55 = arith.constant 8 : i32
        %mul3A_56 = arith.muli %mul3A_54, %mul3A_55 : i32
        %add3A_57 = arith.constant 32 : i32
        %add3A_58 = arith.addi %mul3A_56, %add3A_57 : i32
        %swap3A_59 = arith.index_cast %add3A_58 : i32 to index
        %swap3A_60 = tpu.vector_load %arg11[%swap3A_59] {strides = array<i32>} : memref<10240xf32, #tpu.memory_space<vmem>>, vector<16xf32>,
        tpu.vector_store %arg11[%swap3A_59], %broadcast_in_dim3A_3 {strides = array<i32>} : memref<10240xf32, #tpu.memory_space<vmem>>, vector<16xf32>,
        %mul3A_61 = arith.constant 16 : i32
        %mul3A_62 = arith.muli %scan3A_39, %mul3A_61 : i32
        %mul3A_63 = arith.constant 8 : i32
        %mul3A_64 = arith.muli %mul3A_62, %mul3A_63 : i32
        %add3A_65 = arith.constant 48 : i32
        %add3A_66 = arith.addi %mul3A_64, %add3A_65 : i32
        %swap3A_67 = arith.index_cast %add3A_66 : i32 to index
        %swap3A_68 = tpu.vector_load %arg11[%swap3A_67] {strides = array<i32>} : memref<10240xf32, #tpu.memory_space<vmem>>, vector<16xf32>,
        tpu.vector_store %arg11[%swap3A_67], %broadcast_in_dim3A_3 {strides = array<i32>} : memref<10240xf32, #tpu.memory_space<vmem>>, vector<16xf32>,
        %mul3A_69 = arith.constant 16 : i32
        %mul3A_70 = arith.muli %scan3A_39, %mul3A_69 : i32
        %mul3A_71 = arith.constant 8 : i32
        %mul3A_72 = arith.muli %mul3A_70, %mul3A_71 : i32
        %add3A_73 = arith.constant 64 : i32
        %add3A_74 = arith.addi %mul3A_72, %add3A_73 : i32
        %swap3A_75 = arith.index_cast %add3A_74 : i32 to index
        %swap3A_76 = tpu.vector_load %arg11[%swap3A_75] {strides = array<i32>} : memref<10240xf32, #tpu.memory_space<vmem>>, vector<16xf32>,
        tpu.vector_store %arg11[%swap3A_75], %broadcast_in_dim3A_3 {strides = array<i32>} : memref<10240xf32, #tpu.memory_space<vmem>>, vector<16xf32>,
        %mul3A_77 = arith.constant 16 : i32
        %mul3A_78 = arith.muli %scan3A_39, %mul3A_77 : i32
        %mul3A_79 = arith.constant 8 : i32
        %mul3A_80 = arith.muli %mul3A_78, %mul3A_79 : i32
        %add3A_81 = arith.constant 80 : i32
        %add3A_82 = arith.addi %mul3A_80, %add3A_81 : i32
        %swap3A_83 = arith.index_cast %add3A_82 : i32 to index
        %swap3A_84 = tpu.vector_load %arg11[%swap3A_83] {strides = array<i32>} : memref<10240xf32, #tpu.memory_space<vmem>>, vector<16xf32>,
        tpu.vector_store %arg11[%swap3A_83], %broadcast_in_dim3A_3 {strides = array<i32>} : memref<10240xf32, #tpu.memory_space<vmem>>, vector<16xf32>,
        %mul3A_85 = arith.constant 16 : i32
        %mul3A_86 = arith.muli %scan3A_39, %mul3A_85 : i32
        %mul3A_87 = arith.constant 8 : i32
        %mul3A_88 = arith.muli %mul3A_86, %mul3A_87 : i32
        %add3A_89 = arith.constant 96 : i32
        %add3A_90 = arith.addi %mul3A_88, %add3A_89 : i32
        %swap3A_91 = arith.index_cast %add3A_90 : i32 to index
        %swap3A_92 = tpu.vector_load %arg11[%swap3A_91] {strides = array<i32>} : memref<10240xf32, #tpu.memory_space<vmem>>, vector<16xf32>,
        tpu.vector_store %arg11[%swap3A_91], %broadcast_in_dim3A_3 {strides = array<i32>} : memref<10240xf32, #tpu.memory_space<vmem>>, vector<16xf32>,
        %mul3A_93 = arith.constant 16 : i32
        %mul3A_94 = arith.muli %scan3A_39, %mul3A_93 : i32
        %mul3A_95 = arith.constant 8 : i32
        %mul3A_96 = arith.muli %mul3A_94, %mul3A_95 : i32
        %add3A_97 = arith.constant 112 : i32
        %add3A_98 = arith.addi %mul3A_96, %add3A_97 : i32
        %swap3A_99 = arith.index_cast %add3A_98 : i32 to index
        %swap3A_100 = tpu.vector_load %arg11[%swap3A_99] {strides = array<i32>} : memref<10240xf32, #tpu.memory_space<vmem>>, vector<16xf32>,
        tpu.vector_store %arg11[%swap3A_99], %broadcast_in_dim3A_3 {strides = array<i32>} : memref<10240xf32, #tpu.memory_space<vmem>>, vector<16xf32>,
        %scan3A_101 = arith.constant 0 : i32
        scf.yield %scan3A_101 : i32
      }
      %scan3A_18 = arith.constant 80 : i32
      %scan3A_19 = arith.constant 0 : i32
      %scan3A_20 = arith.constant 0 : i32
      %scan3A_21 = arith.constant 160 : i32
      %scan3A_22 = arith.addi %scan3A_20, %scan3A_21 : i32
      %scan3A_23 = arith.constant 1 : i32
      %scan3A_24 = scf.for %scan3A_39 = %scan3A_20 to %scan3A_22 step %scan3A_23 iter_args(%scan3A_40 = %scan3A_19) -> (i32)  : i32 {
        %mul3A_41 = arith.constant 8 : i32
        %mul3A_42 = arith.muli %scan3A_39, %mul3A_41 : i32
        %add3A = arith.constant 0 : i32
        %add3A_43 = arith.addi %mul3A_42, %add3A : i32
        %mul3A_44 = arith.constant 16 : i32
        %mul3A_45 = arith.muli %add3A_43, %mul3A_44 : i32
        %get3A = arith.index_cast %mul3A_45 : i32 to index
        %get3A_46 = tpu.vector_load %arg8[%get3A] {strides = array<i32>} : memref<20480xi32, #tpu.memory_space<vmem>>, vector<16xi32>,
        %get3A_47 = arith.index_cast %mul3A_45 : i32 to index
        %get3A_48 = tpu.vector_load %arg9[%get3A_47] {strides = array<i32>} : memref<20480xi32, #tpu.memory_space<vmem>>, vector<16xi32>,
        %get3A_49 = arith.index_cast %mul3A_45 : i32 to index
        %get3A_50 = tpu.vector_load %arg10[%get3A_49] {strides = array<i32>} : memref<20480xf32, #tpu.memory_space<vmem>>, vector<16xf32>,
        %gather3A = tpu.vector_load_idx %arg7[%get3A_46] : memref<10240xf32, #tpu.memory_space<vmem>>[vector<16xi32>], vector<16xf32>,
        %mul3A_51 = arith.mulf %get3A_50, %gather3A : vector<16xf32>
        tpu.vector_store_idx %arg11[%get3A_48], %mul3A_51 {add = true} : memref<10240xf32, #tpu.memory_space<vmem>>[vector<16xi32>], vector<16xf32>,
        %mul3A_52 = arith.constant 8 : i32
        %mul3A_53 = arith.muli %scan3A_39, %mul3A_52 : i32
        %add3A_54 = arith.constant 1 : i32
        %add3A_55 = arith.addi %mul3A_53, %add3A_54 : i32
        %mul3A_56 = arith.constant 16 : i32
        %mul3A_57 = arith.muli %add3A_55, %mul3A_56 : i32
        %get3A_58 = arith.index_cast %mul3A_57 : i32 to index
        %get3A_59 = tpu.vector_load %arg8[%get3A_58] {strides = array<i32>} : memref<20480xi32, #tpu.memory_space<vmem>>, vector<16xi32>,
        %get3A_60 = arith.index_cast %mul3A_57 : i32 to index
        %get3A_61 = tpu.vector_load %arg9[%get3A_60] {strides = array<i32>} : memref<20480xi32, #tpu.memory_space<vmem>>, vector<16xi32>,
        %get3A_62 = arith.index_cast %mul3A_57 : i32 to index
        %get3A_63 = tpu.vector_load %arg10[%get3A_62] {strides = array<i32>} : memref<20480xf32, #tpu.memory_space<vmem>>, vector<16xf32>,
        %gather3A_64 = tpu.vector_load_idx %arg7[%get3A_59] : memref<10240xf32, #tpu.memory_space<vmem>>[vector<16xi32>], vector<16xf32>,
        %mul3A_65 = arith.mulf %get3A_63, %gather3A_64 : vector<16xf32>
        tpu.vector_store_idx %arg11[%get3A_61], %mul3A_65 {add = true} : memref<10240xf32, #tpu.memory_space<vmem>>[vector<16xi32>], vector<16xf32>,
        %mul3A_66 = arith.constant 8 : i32
        %mul3A_67 = arith.muli %scan3A_39, %mul3A_66 : i32
        %add3A_68 = arith.constant 2 : i32
        %add3A_69 = arith.addi %mul3A_67, %add3A_68 : i32
        %mul3A_70 = arith.constant 16 : i32
        %mul3A_71 = arith.muli %add3A_69, %mul3A_70 : i32
        %get3A_72 = arith.index_cast %mul3A_71 : i32 to index
        %get3A_73 = tpu.vector_load %arg8[%get3A_72] {strides = array<i32>} : memref<20480xi32, #tpu.memory_space<vmem>>, vector<16xi32>,
        %get3A_74 = arith.index_cast %mul3A_71 : i32 to index
        %get3A_75 = tpu.vector_load %arg9[%get3A_74] {strides = array<i32>} : memref<20480xi32, #tpu.memory_space<vmem>>, vector<16xi32>,
        %get3A_76 = arith.index_cast %mul3A_71 : i32 to index
        %get3A_77 = tpu.vector_load %arg10[%get3A_76] {strides = array<i32>} : memref<20480xf32, #tpu.memory_space<vmem>>, vector<16xf32>,
        %gather3A_78 = tpu.vector_load_idx %arg7[%get3A_73] : memref<10240xf32, #tpu.memory_space<vmem>>[vector<16xi32>], vector<16xf32>,
        %mul3A_79 = arith.mulf %get3A_77, %gather3A_78 : vector<16xf32>
        tpu.vector_store_idx %arg11[%get3A_75], %mul3A_79 {add = true} : memref<10240xf32, #tpu.memory_space<vmem>>[vector<16xi32>], vector<16xf32>,
        %mul3A_80 = arith.constant 8 : i32
        %mul3A_81 = arith.muli %scan3A_39, %mul3A_80 : i32
        %add3A_82 = arith.constant 3 : i32
        %add3A_83 = arith.addi %mul3A_81, %add3A_82 : i32
        %mul3A_84 = arith.constant 16 : i32
        %mul3A_85 = arith.muli %add3A_83, %mul3A_84 : i32
        %get3A_86 = arith.index_cast %mul3A_85 : i32 to index
        %get3A_87 = tpu.vector_load %arg8[%get3A_86] {strides = array<i32>} : memref<20480xi32, #tpu.memory_space<vmem>>, vector<16xi32>,
        %get3A_88 = arith.index_cast %mul3A_85 : i32 to index
        %get3A_89 = tpu.vector_load %arg9[%get3A_88] {strides = array<i32>} : memref<20480xi32, #tpu.memory_space<vmem>>, vector<16xi32>,
        %get3A_90 = arith.index_cast %mul3A_85 : i32 to index
        %get3A_91 = tpu.vector_load %arg10[%get3A_90] {strides = array<i32>} : memref<20480xf32, #tpu.memory_space<vmem>>, vector<16xf32>,
        %gather3A_92 = tpu.vector_load_idx %arg7[%get3A_87] : memref<10240xf32, #tpu.memory_space<vmem>>[vector<16xi32>], vector<16xf32>,
        %mul3A_93 = arith.mulf %get3A_91, %gather3A_92 : vector<16xf32>
        tpu.vector_store_idx %arg11[%get3A_89], %mul3A_93 {add = true} : memref<10240xf32, #tpu.memory_space<vmem>>[vector<16xi32>], vector<16xf32>,
        %mul3A_94 = arith.constant 8 : i32
        %mul3A_95 = arith.muli %scan3A_39, %mul3A_94 : i32
        %add3A_96 = arith.constant 4 : i32
        %add3A_97 = arith.addi %mul3A_95, %add3A_96 : i32
        %mul3A_98 = arith.constant 16 : i32
        %mul3A_99 = arith.muli %add3A_97, %mul3A_98 : i32
        %get3A_100 = arith.index_cast %mul3A_99 : i32 to index
        %get3A_101 = tpu.vector_load %arg8[%get3A_100] {strides = array<i32>} : memref<20480xi32, #tpu.memory_space<vmem>>, vector<16xi32>,
        %get3A_102 = arith.index_cast %mul3A_99 : i32 to index
        %get3A_103 = tpu.vector_load %arg9[%get3A_102] {strides = array<i32>} : memref<20480xi32, #tpu.memory_space<vmem>>, vector<16xi32>,
        %get3A_104 = arith.index_cast %mul3A_99 : i32 to index
        %get3A_105 = tpu.vector_load %arg10[%get3A_104] {strides = array<i32>} : memref<20480xf32, #tpu.memory_space<vmem>>, vector<16xf32>,
        %gather3A_106 = tpu.vector_load_idx %arg7[%get3A_101] : memref<10240xf32, #tpu.memory_space<vmem>>[vector<16xi32>], vector<16xf32>,
        %mul3A_107 = arith.mulf %get3A_105, %gather3A_106 : vector<16xf32>
        tpu.vector_store_idx %arg11[%get3A_103], %mul3A_107 {add = true} : memref<10240xf32, #tpu.memory_space<vmem>>[vector<16xi32>], vector<16xf32>,
        %mul3A_108 = arith.constant 8 : i32
        %mul3A_109 = arith.muli %scan3A_39, %mul3A_108 : i32
        %add3A_110 = arith.constant 5 : i32
        %add3A_111 = arith.addi %mul3A_109, %add3A_110 : i32
        %mul3A_112 = arith.constant 16 : i32
        %mul3A_113 = arith.muli %add3A_111, %mul3A_112 : i32
        %get3A_114 = arith.index_cast %mul3A_113 : i32 to index
        %get3A_115 = tpu.vector_load %arg8[%get3A_114] {strides = array<i32>} : memref<20480xi32, #tpu.memory_space<vmem>>, vector<16xi32>,
        %get3A_116 = arith.index_cast %mul3A_113 : i32 to index
        %get3A_117 = tpu.vector_load %arg9[%get3A_116] {strides = array<i32>} : memref<20480xi32, #tpu.memory_space<vmem>>, vector<16xi32>,
        %get3A_118 = arith.index_cast %mul3A_113 : i32 to index
        %get3A_119 = tpu.vector_load %arg10[%get3A_118] {strides = array<i32>} : memref<20480xf32, #tpu.memory_space<vmem>>, vector<16xf32>,
        %gather3A_120 = tpu.vector_load_idx %arg7[%get3A_115] : memref<10240xf32, #tpu.memory_space<vmem>>[vector<16xi32>], vector<16xf32>,
        %mul3A_121 = arith.mulf %get3A_119, %gather3A_120 : vector<16xf32>
        tpu.vector_store_idx %arg11[%get3A_117], %mul3A_121 {add = true} : memref<10240xf32, #tpu.memory_space<vmem>>[vector<16xi32>], vector<16xf32>,
        %mul3A_122 = arith.constant 8 : i32
        %mul3A_123 = arith.muli %scan3A_39, %mul3A_122 : i32
        %add3A_124 = arith.constant 6 : i32
        %add3A_125 = arith.addi %mul3A_123, %add3A_124 : i32
        %mul3A_126 = arith.constant 16 : i32
        %mul3A_127 = arith.muli %add3A_125, %mul3A_126 : i32
        %get3A_128 = arith.index_cast %mul3A_127 : i32 to index
        %get3A_129 = tpu.vector_load %arg8[%get3A_128] {strides = array<i32>} : memref<20480xi32, #tpu.memory_space<vmem>>, vector<16xi32>,
        %get3A_130 = arith.index_cast %mul3A_127 : i32 to index
        %get3A_131 = tpu.vector_load %arg9[%get3A_130] {strides = array<i32>} : memref<20480xi32, #tpu.memory_space<vmem>>, vector<16xi32>,
        %get3A_132 = arith.index_cast %mul3A_127 : i32 to index
        %get3A_133 = tpu.vector_load %arg10[%get3A_132] {strides = array<i32>} : memref<20480xf32, #tpu.memory_space<vmem>>, vector<16xf32>,
        %gather3A_134 = tpu.vector_load_idx %arg7[%get3A_129] : memref<10240xf32, #tpu.memory_space<vmem>>[vector<16xi32>], vector<16xf32>,
        %mul3A_135 = arith.mulf %get3A_133, %gather3A_134 : vector<16xf32>
        tpu.vector_store_idx %arg11[%get3A_131], %mul3A_135 {add = true} : memref<10240xf32, #tpu.memory_space<vmem>>[vector<16xi32>], vector<16xf32>,
        %mul3A_136 = arith.constant 8 : i32
        %mul3A_137 = arith.muli %scan3A_39, %mul3A_136 : i32
        %add3A_138 = arith.constant 7 : i32
        %add3A_139 = arith.addi %mul3A_137, %add3A_138 : i32
        %mul3A_140 = arith.constant 16 : i32
        %mul3A_141 = arith.muli %add3A_139, %mul3A_140 : i32
        %get3A_142 = arith.index_cast %mul3A_141 : i32 to index
        %get3A_143 = tpu.vector_load %arg8[%get3A_142] {strides = array<i32>} : memref<20480xi32, #tpu.memory_space<vmem>>, vector<16xi32>,
        %get3A_144 = arith.index_cast %mul3A_141 : i32 to index
        %get3A_145 = tpu.vector_load %arg9[%get3A_144] {strides = array<i32>} : memref<20480xi32, #tpu.memory_space<vmem>>, vector<16xi32>,
        %get3A_146 = arith.index_cast %mul3A_141 : i32 to index
        %get3A_147 = tpu.vector_load %arg10[%get3A_146] {strides = array<i32>} : memref<20480xf32, #tpu.memory_space<vmem>>, vector<16xf32>,
        %gather3A_148 = tpu.vector_load_idx %arg7[%get3A_143] : memref<10240xf32, #tpu.memory_space<vmem>>[vector<16xi32>], vector<16xf32>,
        %mul3A_149 = arith.mulf %get3A_147, %gather3A_148 : vector<16xf32>
        tpu.vector_store_idx %arg11[%get3A_145], %mul3A_149 {add = true} : memref<10240xf32, #tpu.memory_space<vmem>>[vector<16xi32>], vector<16xf32>,
        %scan3A_150 = arith.constant 0 : i32
        scf.yield %scan3A_150 : i32
      }
      %scan3A_25 = arith.constant 160 : i32
      "tpu.region"() ({
        %run_scoped3A = tpu.sem_alloc : memref<!tpu.dma_semaphore, #tpu.memory_space<semaphore_mem>>
        %dma_start3A = arith.constant 0 : i32
        %dma_start3A_39 = tpu.memref_slice %arg14[%arg1, %dma_start3A] : memref<16x10240xf32, #tpu.memory_space<vmem_shared>> -> memref<1x10240xf32, #tpu.memory_space<vmem_shared>>
        %dma_start3A_40 = tpu.memref_squeeze %dma_start3A_39 : memref<1x10240xf32, #tpu.memory_space<vmem_shared>> -> memref<10240xf32, #tpu.memory_space<vmem_shared>>
        %dma_start3A_41 = arith.constant 0 : i32
        %dma_start3A_42 = tpu.memref_slice %arg14[%arg1, %dma_start3A_41] : memref<16x10240xf32, #tpu.memory_space<vmem_shared>> -> memref<1x10240xf32, #tpu.memory_space<vmem_shared>>
        %dma_start3A_43 = tpu.memref_squeeze %dma_start3A_42 : memref<1x10240xf32, #tpu.memory_space<vmem_shared>> -> memref<10240xf32, #tpu.memory_space<vmem_shared>>
        tpu.enqueue_dma source(%arg11 : memref<10240xf32, #tpu.memory_space<vmem>>) target(%dma_start3A_43 : memref<10240xf32, #tpu.memory_space<vmem_shared>>) target_semaphore(%run_scoped3A : memref<!tpu.dma_semaphore, #tpu.memory_space<semaphore_mem>>)
        %dma_wait3A = arith.constant 0 : i32
        %dma_wait3A_44 = tpu.memref_slice %arg14[%arg1, %dma_wait3A] : memref<16x10240xf32, #tpu.memory_space<vmem_shared>> -> memref<1x10240xf32, #tpu.memory_space<vmem_shared>>
        %dma_wait3A_45 = tpu.memref_squeeze %dma_wait3A_44 : memref<1x10240xf32, #tpu.memory_space<vmem_shared>> -> memref<10240xf32, #tpu.memory_space<vmem_shared>>
        %dma_wait3A_46 = arith.constant 0 : i32
        %dma_wait3A_47 = tpu.memref_slice %arg14[%arg1, %dma_wait3A_46] : memref<16x10240xf32, #tpu.memory_space<vmem_shared>> -> memref<1x10240xf32, #tpu.memory_space<vmem_shared>>
        %dma_wait3A_48 = tpu.memref_squeeze %dma_wait3A_47 : memref<1x10240xf32, #tpu.memory_space<vmem_shared>> -> memref<10240xf32, #tpu.memory_space<vmem_shared>>
        tpu.wait_dma2 semaphore(%run_scoped3A : memref<!tpu.dma_semaphore, #tpu.memory_space<semaphore_mem>>) src(%arg11 : memref<10240xf32, #tpu.memory_space<vmem>>) dst(%dma_wait3A_48 : memref<10240xf32, #tpu.memory_space<vmem_shared>>)
        tpu.yield
      }) : () -> ()
      %barrier3A = arith.constant 0 : index
      tpu.barrier barrier_id(%barrier3A)
      "tpu.region"() ({
        %run_scoped3A = tpu.sem_alloc : memref<!tpu.dma_semaphore, #tpu.memory_space<semaphore_mem>>
        %dma_start3A = arith.constant 0 : i32
        %dma_start3A_39 = tpu.memref_slice %arg14[%dma_start3A, %mul3A_0] : memref<16x10240xf32, #tpu.memory_space<vmem_shared>> -> memref<16x640xf32, #tpu.memory_space<vmem_shared>>
        %dma_start3A_40 = arith.constant 0 : i32
        %dma_start3A_41 = tpu.memref_slice %arg14[%dma_start3A_40, %mul3A_0] : memref<16x10240xf32, #tpu.memory_space<vmem_shared>> -> memref<16x640xf32, #tpu.memory_space<vmem_shared>>
        tpu.enqueue_dma source(%dma_start3A_41 : memref<16x640xf32, #tpu.memory_space<vmem_shared>>) target(%arg12 : memref<16x640xf32, #tpu.memory_space<vmem>>) target_semaphore(%run_scoped3A : memref<!tpu.dma_semaphore, #tpu.memory_space<semaphore_mem>>)
        %dma_wait3A = arith.constant 0 : i32
        %dma_wait3A_42 = tpu.memref_slice %arg14[%dma_wait3A, %mul3A_0] : memref<16x10240xf32, #tpu.memory_space<vmem_shared>> -> memref<16x640xf32, #tpu.memory_space<vmem_shared>>
        %dma_wait3A_43 = arith.constant 0 : i32
        %dma_wait3A_44 = tpu.memref_slice %arg14[%dma_wait3A_43, %mul3A_0] : memref<16x10240xf32, #tpu.memory_space<vmem_shared>> -> memref<16x640xf32, #tpu.memory_space<vmem_shared>>
        tpu.wait_dma2 semaphore(%run_scoped3A : memref<!tpu.dma_semaphore, #tpu.memory_space<semaphore_mem>>) src(%dma_wait3A_44 : memref<16x640xf32, #tpu.memory_space<vmem_shared>>) dst(%arg12 : memref<16x640xf32, #tpu.memory_space<vmem>>)
        tpu.yield
      }) : () -> ()
      %scan3A_26 = arith.constant 0 : i32
      %scan3A_27 = arith.constant 0 : i32
      %scan3A_28 = arith.constant 40 : i32
      %scan3A_29 = arith.addi %scan3A_27, %scan3A_28 : i32
      %scan3A_30 = arith.constant 1 : i32
      %scan3A_31 = scf.for %scan3A_39 = %scan3A_27 to %scan3A_29 step %scan3A_30 iter_args(%scan3A_40 = %scan3A_26) -> (i32)  : i32 {
        %mul3A_41 = arith.constant 16 : i32
        %mul3A_42 = arith.muli %scan3A_39, %mul3A_41 : i32
        %get3A = arith.constant 0 : i32
        %get3A_43 = arith.index_cast %get3A : i32 to index
        %get3A_44 = arith.index_cast %mul3A_42 : i32 to index
        %get3A_45 = tpu.vector_load %arg12[%get3A_43, %get3A_44] {strides = array<i32>} : memref<16x640xf32, #tpu.memory_space<vmem>>, vector<16xf32>,
        %get3A_46 = arith.constant 1 : i32
        %get3A_47 = arith.index_cast %get3A_46 : i32 to index
        %get3A_48 = arith.index_cast %mul3A_42 : i32 to index
        %get3A_49 = tpu.vector_load %arg12[%get3A_47, %get3A_48] {strides = array<i32>} : memref<16x640xf32, #tpu.memory_space<vmem>>, vector<16xf32>,
        %get3A_50 = arith.constant 2 : i32
        %get3A_51 = arith.index_cast %get3A_50 : i32 to index
        %get3A_52 = arith.index_cast %mul3A_42 : i32 to index
        %get3A_53 = tpu.vector_load %arg12[%get3A_51, %get3A_52] {strides = array<i32>} : memref<16x640xf32, #tpu.memory_space<vmem>>, vector<16xf32>,
        %get3A_54 = arith.constant 3 : i32
        %get3A_55 = arith.index_cast %get3A_54 : i32 to index
        %get3A_56 = arith.index_cast %mul3A_42 : i32 to index
        %get3A_57 = tpu.vector_load %arg12[%get3A_55, %get3A_56] {strides = array<i32>} : memref<16x640xf32, #tpu.memory_space<vmem>>, vector<16xf32>,
        %get3A_58 = arith.constant 4 : i32
        %get3A_59 = arith.index_cast %get3A_58 : i32 to index
        %get3A_60 = arith.index_cast %mul3A_42 : i32 to index
        %get3A_61 = tpu.vector_load %arg12[%get3A_59, %get3A_60] {strides = array<i32>} : memref<16x640xf32, #tpu.memory_space<vmem>>, vector<16xf32>,
        %get3A_62 = arith.constant 5 : i32
        %get3A_63 = arith.index_cast %get3A_62 : i32 to index
        %get3A_64 = arith.index_cast %mul3A_42 : i32 to index
        %get3A_65 = tpu.vector_load %arg12[%get3A_63, %get3A_64] {strides = array<i32>} : memref<16x640xf32, #tpu.memory_space<vmem>>, vector<16xf32>,
        %get3A_66 = arith.constant 6 : i32
        %get3A_67 = arith.index_cast %get3A_66 : i32 to index
        %get3A_68 = arith.index_cast %mul3A_42 : i32 to index
        %get3A_69 = tpu.vector_load %arg12[%get3A_67, %get3A_68] {strides = array<i32>} : memref<16x640xf32, #tpu.memory_space<vmem>>, vector<16xf32>,
        %get3A_70 = arith.constant 7 : i32
        %get3A_71 = arith.index_cast %get3A_70 : i32 to index
        %get3A_72 = arith.index_cast %mul3A_42 : i32 to index
        %get3A_73 = tpu.vector_load %arg12[%get3A_71, %get3A_72] {strides = array<i32>} : memref<16x640xf32, #tpu.memory_space<vmem>>, vector<16xf32>,
        %get3A_74 = arith.constant 8 : i32
        %get3A_75 = arith.index_cast %get3A_74 : i32 to index
        %get3A_76 = arith.index_cast %mul3A_42 : i32 to index
        %get3A_77 = tpu.vector_load %arg12[%get3A_75, %get3A_76] {strides = array<i32>} : memref<16x640xf32, #tpu.memory_space<vmem>>, vector<16xf32>,
        %get3A_78 = arith.constant 9 : i32
        %get3A_79 = arith.index_cast %get3A_78 : i32 to index
        %get3A_80 = arith.index_cast %mul3A_42 : i32 to index
        %get3A_81 = tpu.vector_load %arg12[%get3A_79, %get3A_80] {strides = array<i32>} : memref<16x640xf32, #tpu.memory_space<vmem>>, vector<16xf32>,
        %get3A_82 = arith.constant 10 : i32
        %get3A_83 = arith.index_cast %get3A_82 : i32 to index
        %get3A_84 = arith.index_cast %mul3A_42 : i32 to index
        %get3A_85 = tpu.vector_load %arg12[%get3A_83, %get3A_84] {strides = array<i32>} : memref<16x640xf32, #tpu.memory_space<vmem>>, vector<16xf32>,
        %get3A_86 = arith.constant 11 : i32
        %get3A_87 = arith.index_cast %get3A_86 : i32 to index
        %get3A_88 = arith.index_cast %mul3A_42 : i32 to index
        %get3A_89 = tpu.vector_load %arg12[%get3A_87, %get3A_88] {strides = array<i32>} : memref<16x640xf32, #tpu.memory_space<vmem>>, vector<16xf32>,
        %get3A_90 = arith.constant 12 : i32
        %get3A_91 = arith.index_cast %get3A_90 : i32 to index
        %get3A_92 = arith.index_cast %mul3A_42 : i32 to index
        %get3A_93 = tpu.vector_load %arg12[%get3A_91, %get3A_92] {strides = array<i32>} : memref<16x640xf32, #tpu.memory_space<vmem>>, vector<16xf32>,
        %get3A_94 = arith.constant 13 : i32
        %get3A_95 = arith.index_cast %get3A_94 : i32 to index
        %get3A_96 = arith.index_cast %mul3A_42 : i32 to index
        %get3A_97 = tpu.vector_load %arg12[%get3A_95, %get3A_96] {strides = array<i32>} : memref<16x640xf32, #tpu.memory_space<vmem>>, vector<16xf32>,
        %get3A_98 = arith.constant 14 : i32
        %get3A_99 = arith.index_cast %get3A_98 : i32 to index
        %get3A_100 = arith.index_cast %mul3A_42 : i32 to index
        %get3A_101 = tpu.vector_load %arg12[%get3A_99, %get3A_100] {strides = array<i32>} : memref<16x640xf32, #tpu.memory_space<vmem>>, vector<16xf32>,
        %get3A_102 = arith.constant 15 : i32
        %get3A_103 = arith.index_cast %get3A_102 : i32 to index
        %get3A_104 = arith.index_cast %mul3A_42 : i32 to index
        %get3A_105 = tpu.vector_load %arg12[%get3A_103, %get3A_104] {strides = array<i32>} : memref<16x640xf32, #tpu.memory_space<vmem>>, vector<16xf32>,
        %add3A = arith.addf %get3A_45, %get3A_49 : vector<16xf32>
        %add3A_106 = arith.addf %get3A_53, %get3A_57 : vector<16xf32>
        %add3A_107 = arith.addf %get3A_61, %get3A_65 : vector<16xf32>
        %add3A_108 = arith.addf %get3A_69, %get3A_73 : vector<16xf32>
        %add3A_109 = arith.addf %get3A_77, %get3A_81 : vector<16xf32>
        %add3A_110 = arith.addf %get3A_85, %get3A_89 : vector<16xf32>
        %add3A_111 = arith.addf %get3A_93, %get3A_97 : vector<16xf32>
        %add3A_112 = arith.addf %get3A_101, %get3A_105 : vector<16xf32>
        %add3A_113 = arith.addf %add3A, %add3A_106 : vector<16xf32>
        %add3A_114 = arith.addf %add3A_107, %add3A_108 : vector<16xf32>
        %add3A_115 = arith.addf %add3A_109, %add3A_110 : vector<16xf32>
        %add3A_116 = arith.addf %add3A_111, %add3A_112 : vector<16xf32>
        %add3A_117 = arith.addf %add3A_113, %add3A_114 : vector<16xf32>
        %add3A_118 = arith.addf %add3A_115, %add3A_116 : vector<16xf32>
        %add3A_119 = arith.addf %add3A_117, %add3A_118 : vector<16xf32>
        %add3A_120 = arith.addi %mul3A_0, %mul3A_42 : i32
        %get3A_121 = arith.index_cast %add3A_120 : i32 to index
        %get3A_122 = tpu.vector_load %arg7[%get3A_121] {strides = array<i32>} : memref<10240xf32, #tpu.memory_space<vmem>>, vector<16xf32>,
        %mul3A_123 = arith.constant 0.899999976 : f32
        %mul3A_124 = vector.broadcast %mul3A_123 : f32 to vector<16xf32>
        %mul3A_125 = arith.mulf %mul3A_124, %get3A_122 : vector<16xf32>
        %add3A_126 = arith.addf %add3A_119, %mul3A_125 : vector<16xf32>
        %mul3A_127 = arith.constant 2.000000e+00 : f32
        %mul3A_128 = vector.broadcast %mul3A_127 : f32 to vector<16xf32>
        %mul3A_129 = arith.mulf %mul3A_128, %add3A_126 : vector<16xf32>
        %exp3A = math.exp %mul3A_129 : vector<16xf32>
        %add3A_130 = arith.constant 1.000000e+00 : f32
        %add3A_131 = vector.broadcast %add3A_130 : f32 to vector<16xf32>
        %add3A_132 = arith.addf %exp3A, %add3A_131 : vector<16xf32>
        %div3A = arith.constant 2.000000e+00 : f32
        %div3A_133 = vector.broadcast %div3A : f32 to vector<16xf32>
        %div3A_134 = arith.divf %div3A_133, %add3A_132 : vector<16xf32>
        %sub3A = arith.constant 1.000000e+00 : f32
        %sub3A_135 = vector.broadcast %sub3A : f32 to vector<16xf32>
        %sub3A_136 = arith.subf %sub3A_135, %div3A_134 : vector<16xf32>
        %swap3A = arith.index_cast %mul3A_42 : i32 to index
        %swap3A_137 = tpu.vector_load %arg13[%swap3A] {strides = array<i32>} : memref<640xf32, #tpu.memory_space<vmem>>, vector<16xf32>,
        tpu.vector_store %arg13[%swap3A], %sub3A_136 {strides = array<i32>} : memref<640xf32, #tpu.memory_space<vmem>>, vector<16xf32>,
        %scan3A_138 = arith.constant 0 : i32
        scf.yield %scan3A_138 : i32
      }
      %scan3A_32 = arith.constant 40 : i32
      %ge3A = arith.constant 16 : i32
      %ge3A_33 = arith.cmpi sge, %scan3A_10, %ge3A : i32
      %eq3A = arith.constant 0 : i32
      %eq3A_34 = arith.cmpi eq, %arg0, %eq3A : i32
      %and3A = arith.andi %ge3A_33, %eq3A_34 : i1
      %convert_element_type3A = arith.extui %and3A : i1 to i32
      %cond3A = arith.constant 0 : i32
      %cond3A_35 = arith.cmpi ne, %convert_element_type3A, %cond3A : i32
      scf.if %cond3A_35 {
        %sub3A = arith.constant 16 : i32
        %sub3A_39 = arith.subi %scan3A_10, %sub3A : i32
        "tpu.region"() ({
          %run_scoped3A = tpu.sem_alloc : memref<!tpu.dma_semaphore, #tpu.memory_space<semaphore_mem>>
          %dma_start3A = tpu.memref_slice %arg6[%sub3A_39, %mul3A_0] : memref<64x10240xf32, #tpu.memory_space<hbm>> -> memref<1x640xf32, #tpu.memory_space<hbm>>
          %dma_start3A_40 = tpu.memref_squeeze %dma_start3A : memref<1x640xf32, #tpu.memory_space<hbm>> -> memref<640xf32, #tpu.memory_space<hbm>>
          %dma_start3A_41 = tpu.memref_slice %arg6[%sub3A_39, %mul3A_0] : memref<64x10240xf32, #tpu.memory_space<hbm>> -> memref<1x640xf32, #tpu.memory_space<hbm>>
          %dma_start3A_42 = tpu.memref_squeeze %dma_start3A_41 : memref<1x640xf32, #tpu.memory_space<hbm>> -> memref<640xf32, #tpu.memory_space<hbm>>
          tpu.enqueue_dma source(%arg13 : memref<640xf32, #tpu.memory_space<vmem>>) target(%dma_start3A_42 : memref<640xf32, #tpu.memory_space<hbm>>) target_semaphore(%run_scoped3A : memref<!tpu.dma_semaphore, #tpu.memory_space<semaphore_mem>>)
          %dma_wait3A = tpu.memref_slice %arg6[%sub3A_39, %mul3A_0] : memref<64x10240xf32, #tpu.memory_space<hbm>> -> memref<1x640xf32, #tpu.memory_space<hbm>>
          %dma_wait3A_43 = tpu.memref_squeeze %dma_wait3A : memref<1x640xf32, #tpu.memory_space<hbm>> -> memref<640xf32, #tpu.memory_space<hbm>>
          %dma_wait3A_44 = tpu.memref_slice %arg6[%sub3A_39, %mul3A_0] : memref<64x10240xf32, #tpu.memory_space<hbm>> -> memref<1x640xf32, #tpu.memory_space<hbm>>
          %dma_wait3A_45 = tpu.memref_squeeze %dma_wait3A_44 : memref<1x640xf32, #tpu.memory_space<hbm>> -> memref<640xf32, #tpu.memory_space<hbm>>
          tpu.wait_dma2 semaphore(%run_scoped3A : memref<!tpu.dma_semaphore, #tpu.memory_space<semaphore_mem>>) src(%arg13 : memref<640xf32, #tpu.memory_space<vmem>>) dst(%dma_wait3A_45 : memref<640xf32, #tpu.memory_space<hbm>>)
          tpu.yield
        }) : () -> ()
      } else {
      }
      "tpu.region"() ({
        %run_scoped3A = tpu.sem_alloc : memref<!tpu.dma_semaphore, #tpu.memory_space<semaphore_mem>>
        %dma_start3A = tpu.memref_slice %arg15[%mul3A_0] : memref<10240xf32, #tpu.memory_space<vmem_shared>> -> memref<640xf32, #tpu.memory_space<vmem_shared>>
        %dma_start3A_39 = tpu.memref_slice %arg15[%mul3A_0] : memref<10240xf32, #tpu.memory_space<vmem_shared>> -> memref<640xf32, #tpu.memory_space<vmem_shared>>
        tpu.enqueue_dma source(%arg13 : memref<640xf32, #tpu.memory_space<vmem>>) target(%dma_start3A_39 : memref<640xf32, #tpu.memory_space<vmem_shared>>) target_semaphore(%run_scoped3A : memref<!tpu.dma_semaphore, #tpu.memory_space<semaphore_mem>>)
        %dma_wait3A = tpu.memref_slice %arg15[%mul3A_0] : memref<10240xf32, #tpu.memory_space<vmem_shared>> -> memref<640xf32, #tpu.memory_space<vmem_shared>>
        %dma_wait3A_40 = tpu.memref_slice %arg15[%mul3A_0] : memref<10240xf32, #tpu.memory_space<vmem_shared>> -> memref<640xf32, #tpu.memory_space<vmem_shared>>
        tpu.wait_dma2 semaphore(%run_scoped3A : memref<!tpu.dma_semaphore, #tpu.memory_space<semaphore_mem>>) src(%arg13 : memref<640xf32, #tpu.memory_space<vmem>>) dst(%dma_wait3A_40 : memref<640xf32, #tpu.memory_space<vmem_shared>>)
        tpu.yield
      }) : () -> ()
      %barrier3A_36 = arith.constant 0 : index
      tpu.barrier barrier_id(%barrier3A_36)
      "tpu.region"() ({
        %run_scoped3A = tpu.sem_alloc : memref<!tpu.dma_semaphore, #tpu.memory_space<semaphore_mem>>
        tpu.enqueue_dma source(%arg15 : memref<10240xf32, #tpu.memory_space<vmem_shared>>) target(%arg7 : memref<10240xf32, #tpu.memory_space<vmem>>) target_semaphore(%run_scoped3A : memref<!tpu.dma_semaphore, #tpu.memory_space<semaphore_mem>>)
        tpu.wait_dma2 semaphore(%run_scoped3A : memref<!tpu.dma_semaphore, #tpu.memory_space<semaphore_mem>>) src(%arg15 : memref<10240xf32, #tpu.memory_space<vmem_shared>>) dst(%arg7 : memref<10240xf32, #tpu.memory_space<vmem>>)
        tpu.yield
      }) : () -> ()
      %barrier3A_37 = arith.constant 0 : index
      tpu.barrier barrier_id(%barrier3A_37)
      %scan3A_38 = arith.constant 0 : i32
      scf.yield %scan3A_38 : i32
    }
    %scan3A_9 = arith.constant 80 : i32
    return
  }
}

</mosaic_0001>

<sc_bundles>
// kernel: kernel.3.cloned.1.call-start
scs
__scs_entry_jumppad:
0x0: {  	(pc) =	sbr.rel $0x88, $3  }
0x1: {  	(tag) =	ssettag $0x0;
	lr =	simm.s32 $0x1  }
0x2: {  	[smem:$0x3F9E] =	sst lr;
	_ =	strace $0xD0000000  }
0x3: {  	_ = 	snop  }
0x4: {  	_ = 	snop  }
0x5: {  	_ = 	snop  }
0x6: {  	_ = 	snop  }
0x7: {  	_ = 	snop  }
__scs_overlays_trampoline_lowered:
0x8: {  	[smem:$0x3FAD] =	sst s0  }
0x9: {  	[smem:$0x3FAE] =	sst s1  }
0xa: {  	[smem:$0x3FAF] =	sst s2  }
0xb: {  	[smem:$0x3FB0] =	sst s3  }
0xc: {  	[smem:$0x3FB1] =	sst s4  }
0xd: {  	[smem:$0x3FB2] =	sst s5  }
0xe: {  	[smem:$0x3FB3] =	sst s6  }
0xf: {  	[smem:$0x3FB4] =	sst s7  }
0x10: {  	[smem:$0x3FB5] =	sst s8  }
0x11: {  	[smem:$0x3FB6] =	sst s9;
	s0 =	simm.s32 @!p0 $0x0  }
0x12: {  	s1 =	sld [smem:$0x3F9C];
	s0 =	simm.s32 @p0 $0x1  }
0x13: {  	[smem:$0x3FB7] =	sst s0;
	s0 =	simm.s32 @!p1 $0x0  }
0x14: {  	s2 =	sld [smem:$0x3F9B];
	s0 =	simm.s32 @p1 $0x1  }
0x15: {  	[smem:$0x3FB8] =	sst s0;
	s0 =	simm.s32 @!p2 $0x0  }
0x16: {  	s3 =	sld [smem:$0x3FDB];
	s0 =	simm.s32 @p2 $0x1  }
0x17: {  	s4 =	simm.s32 $0x1BF5;
	[smem:$0x3FBA] =	sst s0  }
0x18: {  	s0 =	sld [smem:$0x3F9D];
	_ =	swait.ge [sflag:s4], $0x0  }
0x19: {  	s7 =	sld [smem:$0x3F9E]  }
0x1a: {  	s8 =	sadd.s32 $0xFFFFE003, lr  }
0x1b: {  	s9 =	sadd.s32 $0xFFFFFEF7, lr;
	s5 =	simm.s32 $0xFFFFFFFF;
	p2 =	slt.u32 s8, $0xFFFFF086  }
0x1c: {  	p1 =	slt.u32 s9, $0xF7A;
	s5 =	simm.s32 @!p2 $0x0  }
0x1d: {  	s5 =	simm.s32 @p1 $0x1;
	p0 =	seq.s32 s7, s2  }
0x1e: {  	s7 =	smul.u32 @!p0 $0xF7A, s2;
	p2 =	seq.s32 @!p0 s5, $0x0  }
0x1f: {  	s9 =	smul.u32 $0xF7A, s1;
	s8 =	simm.s32 @!p0 $0x1BF5;
	p2 =	por !p2, p0  }
0x20: {  	[sflag:s8] =	ssyncset.s32 @!p0 $0xFFFFF086;
	s6 =	sadd.s32 @!p0 s3, s7;
	s7 =	simm.s32 @!p0 $0x108  }
0x21: {  	s3 =	sadd.s32 s3, s9;
	s6 =	sadd.s32 @!p0 $0x88, s6;
	s7 =	simm.s32 @p2 $0x1082  }
0x22: {  	[simem:s7], [sflag:s8] =	dma.local @!p0 [hbm:s6], $0xF7A  }
0x23: {  	s9 =	sor.u32 $0xD0000000, s2;
	s6 =	simm.s32 $0x108;
	_ =	swait.ge @!p0 [sflag:s8], $0x0  }
0x24: {  	s3 =	sadd.s32 $0x88, s3;
	s6 =	simm.s32 @!p1 $0x1082;
	[sflag:s4] =	ssyncset.s32 $0xFFFFF086  }
0x25: {  	[simem:s6], [sflag:s4] =	dma.local [hbm:s3], $0xF7A  }
0x26: {  	[smem:$0x3F9E] =	sst s1;
	(tag) =	ssettag s2;
	_ =	strace s9  }
0x27: {  	s1 =	sld [smem:$0x3FAE]  }
0x28: {  	s2 =	sld [smem:$0x3FAF]  }
0x29: {  	s4 =	sld [smem:$0x3FB1]  }
0x2a: {  	p0 =	seq.s32 s5, $0x0;
	s5 =	sld [smem:$0x3FB2]  }
0x2b: {  	s6 =	sld [smem:$0x3FB3]  }
0x2c: {  	s7 =	sld [smem:$0x3FB4]  }
0x2d: {  	s3 =	simm.s32 $0x108;
	s8 =	sld [smem:$0x3FB5]  }
0x2e: {  	s3 =	simm.s32 @!p0 $0x1082;
	s9 =	sld [smem:$0x3FB6]  }
0x2f: {  	lr =	sadd.s32 s0, s3;
	s0 =	sld [smem:$0x3FAD]  }
0x30: {  	s3 =	sld [smem:$0x3FB0]  }
0x31: {  	[smem:$0x3FB9] =	sst s10  }
0x32: {  	s10 =	sld [smem:$0x3FB7];
	_ =	sdelay $0x3  }
0x33: {  	p0 =	seq.s32 s10, $0x1;
	s10 =	sld [smem:$0x3FB9];
	_ =	sdelay $0x3  }
0x34: {  	[smem:$0x3FB9] =	sst s10  }
0x35: {  	s10 =	sld [smem:$0x3FB8];
	_ =	sdelay $0x3  }
0x36: {  	p1 =	seq.s32 s10, $0x1;
	s10 =	sld [smem:$0x3FB9];
	_ =	sdelay $0x3  }
0x37: {  	[smem:$0x3FB9] =	sst s10  }
0x38: {  	s10 =	sld [smem:$0x3FBA]  }
0x39: {  	_ = 	snop;
	(pc) =	sbr.ind lr, $3  }
0x3a: {  	_ = 	snop  }
0x3b: {  	_ = 	snop  }
0x3c: {  	p2 =	seq.s32 s10, $0x1;
	s10 =	sld [smem:$0x3FB9]  }
0x3d: {  	_ =	shalt  }
0x3e: {  	_ =	shalt  }
0x3f: {  	_ =	shalt  }
0x40: {  	_ =	shalt  }
0x41: {  	_ =	shalt  }
0x42: {  	_ =	shalt  }
0x43: {  	_ =	shalt  }
0x44: {  	_ =	shalt  }
0x45: {  	_ =	shalt  }
0x46: {  	_ =	shalt  }
0x47: {  	_ =	shalt  }
0x48: {  	_ =	shalt  }
0x49: {  	_ =	shalt  }
0x4a: {  	_ =	shalt  }
0x4b: {  	_ =	shalt  }
0x4c: {  	_ =	shalt  }
0x4d: {  	_ =	shalt  }
0x4e: {  	_ =	shalt  }
0x4f: {  	_ =	shalt  }
0x50: {  	_ =	shalt  }
0x51: {  	_ =	shalt  }
0x52: {  	_ =	shalt  }
0x53: {  	_ =	shalt  }
0x54: {  	_ =	shalt  }
0x55: {  	_ =	shalt  }
0x56: {  	_ =	shalt  }
0x57: {  	_ =	shalt  }
0x58: {  	_ =	shalt  }
0x59: {  	_ =	shalt  }
0x5a: {  	_ =	shalt  }
0x5b: {  	_ =	shalt  }
0x5c: {  	_ =	shalt  }
0x5d: {  	_ =	shalt  }
0x5e: {  	_ =	shalt  }
0x5f: {  	_ =	shalt  }
0x60: {  	_ =	shalt  }
0x61: {  	_ =	shalt  }
0x62: {  	_ =	shalt  }
0x63: {  	_ =	shalt  }
0x64: {  	_ =	shalt  }
0x65: {  	_ =	shalt  }
0x66: {  	_ =	shalt  }
0x67: {  	_ =	shalt  }
0x68: {  	_ =	shalt  }
0x69: {  	_ =	shalt  }
0x6a: {  	_ =	shalt  }
0x6b: {  	_ =	shalt  }
0x6c: {  	_ =	shalt  }
0x6d: {  	_ =	shalt  }
0x6e: {  	_ =	shalt  }
0x6f: {  	_ =	shalt  }
0x70: {  	_ =	shalt  }
0x71: {  	_ =	shalt  }
0x72: {  	_ =	shalt  }
0x73: {  	_ =	shalt  }
0x74: {  	_ =	shalt  }
0x75: {  	_ =	shalt  }
0x76: {  	_ =	shalt  }
0x77: {  	_ =	shalt  }
0x78: {  	_ =	shalt  }
0x79: {  	_ =	shalt  }
0x7a: {  	_ =	shalt  }
0x7b: {  	_ =	shalt  }
0x7c: {  	_ =	shalt  }
0x7d: {  	_ =	shalt  }
0x7e: {  	_ =	shalt  }
0x7f: {  	_ =	shalt  }
0x80: {  	_ =	shalt  }
0x81: {  	_ =	shalt  }
0x82: {  	_ =	shalt  }
0x83: {  	_ =	shalt  }
0x84: {  	_ =	shalt  }
0x85: {  	_ =	shalt  }
0x86: {  	_ =	shalt  }
0x87: {  	_ =	shalt  }
.Lfunc_end0:
.L_simem_size_0:
called_computation_lowered:
.L_overlay_start_0:
0x88: {  	s2 =	sld [smem:$0x3FD9]  }
0x89: {  	s3 =	sld [smem:$0x3FFE];
	_ =	sdelay $0x1  }
0x8a: {  	s1 =	srdreg.scid  }
0x8b: {  	s0 =	sand.u32 $0x1, s1  }
0x8c: {  	s17 =	sshll.u32 s0, $0xA;
	s2 =	sadd.s32 s3, s2  }
0x8d: {  	s2 =	sadd.s32 s2, s17  }
0x8e: {  	[smem:$0x3FC5] =	sst s2  }
0x8f: {  	_ = 	snop  }
0x90: {  	s2 =	sld [smem:$0x3FD0];
	(tm) =	ssettm $0x1  }
0x91: {  	s18 =	sld [smem:$0x3FFB];
	_ =	sdelay $0x3  }
0x92: {  	_ =	strace s18  }
0x93: {  	s3 =	sld [smem:$0x3FFC];
	_ =	sdelay $0x3  }
0x94: {  	_ =	strace s3  }
0x95: {  	s3 =	sld [smem:$0x3FFD];
	_ =	sdelay $0x3  }
0x96: {  	_ =	strace s3  }
0x97: {  	_ =	strace $0x8FFFFFFF  }
0x98: {  	s19 =	sld [smem:$0x3FDB];
	_ =	sdelay $0x1  }
0x99: {  	s4 =	simm.s32 $_scs_section_size  }
0x9a: {  	s5 =	simm.s32 $_size__tile_overlayer_lowered;
	s6 =	simm.s32 $_tile_overlayer_lowered  }
0x9b: {  	s22 =	simm.s32 $0x1BFF;
	s21 =	sshll.u32 s6, $0x1;
	s3 =	sadd.s32 s4, s19  }
0x9c: {  	s7 =	simm.s32 $0x0;
	s20 =	sshll.u32 s5, $0x1;
	s5 =	sadd.s32 s21, s3  }
0x9d: {  	[timem:s7], [sflag:s22] =	dma.local [hbm:s5], s20  }
0x9e: {  	_ =	swait.ge [sflag:s22], s20  }
0x9f: {  	s4 =	ssub.s32 $0x0, s20;
	[sflag:s22] =	ssyncset.done $0x0  }
0xa0: {  	[sflag:s22] =	ssyncadd.s32 s4;
	_ =	sdelay $0x1  }
0xa1: {  	s23 =	simm.s32 $0x1B8B  }
0xa2: {  	_ =	swait.ge [sflag:s23], $0x1  }
0xa3: {  	[sflag:s23] =	ssyncset.done $0x0  }
0xa4: {  	s25 =	simm.s32 $0x1B8E;
	s24 =	sld [smem:$0x3FFE];
	[sflag:s23] =	ssyncadd.s32 $0xFFFFFFFF  }
0xa5: {  	s26 =	simm.s32 $execute0_lowered;
	[smem:$0x3FD2] =	sst s25  }
0xa6: {  	s5 =	sshll.u32 s26, $0x1;
	_ =	strace $0x80000046;
	[dreg:$0x1] =	wrdreg $0xFFFFFFFF  }
0xa7: {  	s28 =	simm.s32 $_size_execute0_lowered;
	s3 =	sadd.s32 s3, s5;
	[dreg:$0x0] =	wrdreg $0x0  }
0xa8: {  	s5 =	sshll.u32 s28, $0x1;
	[dreg:$0x2] =	wrdreg s3  }
0xa9: {  	[dreg:$0x3] =	wrdreg s5  }
0xaa: {  	[dreg:$0x4] =	wrdreg $0xC0  }
0xab: {  	_ =	task [dreg:s7], $0x5FFFF  }
0xac: {  	[dreg:$0x1] =	wrdreg $0xFFFFFFFF  }
0xad: {  	[dreg:$0x0] =	wrdreg $0x60  }
0xae: {  	[dreg:$0x2] =	wrdreg s24  }
0xaf: {  	[dreg:$0x3] =	wrdreg s2  }
0xb0: {  	[dreg:$0x4] =	wrdreg $0x16A800  }
0xb1: {  	[dreg:$0x5] =	wrdreg $0x192800  }
0xb2: {  	[dreg:$0x6] =	wrdreg $0x9  }
0xb3: {  	_ =	task.clear_ibuf [dreg:s7], $0x7FFFF;
	_ =	strace $0x90000046  }
0xb4: {  	s29 =	simm.s32 $0x9;
	_ =	strace $0x80000048  }
0xb5: {  	_ =	swait.ge [sflag:s29], $0x1  }
0xb6: {  	[sflag:s29] =	ssyncadd.s32 $0xFFFFFFFF  }
0xb7: {  	_ =	strace $0x90000048  }
0xb8: {  	_ =	sfence  }
0xb9: {  	s30 =	sld [smem:$0x0];
	_ =	sdelay $0x2  }
0xba: {  	s31 =	sshll.u32 s1, $0xD;
	s1 =	sshrl.u32 s1, $0x2  }
0xbb: {  	s3 =	sand.u32 $0x4000, s31;
	s1 =	sadd.s32 s1, s30  }
0xbc: {  	s0 =	sor.u32 s3, s0;
	s1 =	sshll.u32 s1, $0x11  }
0xbd: {  	s0 =	sor.u32 s1, s0  }
0xbe: {  	s0 =	sadd.s32 $0x8F2B, s0  }
0xbf: {  	[sflag:s0] =	ssyncadd.remote.s32 $0x1  }
0xc0: {  	_ =	sfence.sel $0xFFFF  }
0xc1: {  	[dreg:$0x0] =	wrdreg $0xFFFFFFFF;
	(pc) =	sbr.abs _section_cstart, $3  }
0xc2: {  	[dreg:$0x1] =	wrdreg $0xFFFFFFFF  }
0xc3: {  	_ =	task.clear_ibuf [dreg:s7], $0x2FFFF;
	_ =	strace $0x9FFFFFFF  }
0xc4: {  	(tm) =	ssettm $0x7FFFFFFF  }
0xc5: {  	_ =	shalt  }
tec
execute0_lowered:
.L_overlay_start_1:
0x0: {  	(tag) =	ssettag $0x1  }
0x1: {  	s0 =	rddreg [dreg:$0x0]  }
0x2: {  	s2 =	rddreg [dreg:$0x1]  }
0x3: {  	s12 =	rddreg [dreg:$0x2]  }
0x4: {  	s1 =	rddreg [dreg:$0x3]  }
0x5: {  	s3 =	simm.s32 $0x0;
	s4 =	srdreg.scid;
	s10 =	stileid.u32  }
0x6: {  	s15 =	simm.s32 $0x1;
	s16 =	simm.s32 $0x2800;
	s17 =	simm.s32 $0x7800  }
0x7: {  	s18 =	simm.s32 $0xC800;
	s19 =	simm.s32 $0x11800;
	s20 =	simm.s32 $0x80  }
0x8: {  	s21 =	simm.s32 $0x400;
	s22 =	simm.s32 $0x1400;
	s23 =	simm.s32 $0x14000  }
0x9: {  	s25 =	simm.s32 $0x0;
	[smem:$0x7FF] =	sst s3;
	s24 =	sand.u32 $0x1, s4  }
0xa: {  	s9 =	smul.u32 $0xA00, s10;
	s5 =	sshrl.u32 s10, $0x3;
	s4 =	sadd.s32 $0x14000, s0  }
0xb: {  	s31 =	sshll.u32 s10, $0x7;
	_ =	strace $0x80000047;
	s6 =	ssub.s32 $0x2, s24  }
0xc: {  	s8 =	smul.u32 $0x50000, s5;
	s5 =	sadd.s32 $0x14600, s0;
	s7 =	sshrl.u32 s6, $0x1  }
0xd: {  	p0 =	sne.s32 s24, $0x0;
	s24 =	simm.s32 $0x16800;
	s14 =	ssub.s32 s6, s7  }
0xe: {  	s6 =	smul.u32 $0x280, s10;
	s7 =	sadd.s32 s0, s9;
	s8 =	sshrl.u32 s8, $0x2  }
0xf: {  	s0 =	sand.u32 $0x380, s31;
	s11 =	sadd.s32 s8, s12;
	s8 =	smul.u32 $0x1400, s10  }
0x10: {  	s9 =	sadd.s32 s2, s9;
	s10 =	sadd.s32 $0xA000, s7;
	s14 =	smax.u32 s14, $0x1  }
0x11: {  	v0 =	vimm.f32 $0.0e+00;
	s11 =	sadd.s32 s0, s11;
	s13 =	sadd.s32 s6, s1;
	s12 =	sadd.s32 s8, s12  }
.LBB2_1:
0x12: {  	[tilespmem:s3], [sflag:$0x1] =	stream.linear.gather [hbm4b:s4+s3], $0x2800, $0x38;
	[tilespmem:$0x19500] =	vst v63  }
0x13: {  	_ =	swait.ge [sflag:s15], $0x2800  }
0x14: {  	[sflag:s15] =	ssyncset.done $0x0  }
0x15: {  	[sflag:s15] =	ssyncadd.s32 $0xFFFFD800  }
0x16: {  	[tilespmem:s16], [sflag:$0x1] =	stream.linear.gather [hbm4b:s9+s3], $0x5000, $0x38;
	[tilespmem:$0x19500] =	vst v63  }
0x17: {  	_ =	swait.ge [sflag:s15], $0x5000  }
0x18: {  	[sflag:s15] =	ssyncset.done $0x0  }
0x19: {  	[sflag:s15] =	ssyncadd.s32 $0xFFFFB000  }
0x1a: {  	[tilespmem:s17], [sflag:$0x1] =	stream.linear.gather [hbm4b:s10+s3], $0x5000, $0x38;
	[tilespmem:$0x19500] =	vst v63  }
0x1b: {  	_ =	swait.ge [sflag:s15], $0x5000  }
0x1c: {  	[sflag:s15] =	ssyncset.done $0x0  }
0x1d: {  	[sflag:s15] =	ssyncadd.s32 $0xFFFFB000  }
0x1e: {  	[tilespmem:s18], [sflag:$0x1] =	stream.linear.gather [hbm4b:s7+s3], $0x5000, $0x38;
	[tilespmem:$0x19500] =	vst v63  }
0x1f: {  	_ =	swait.ge [sflag:s15], $0x5000  }
0x20: {  	[sflag:s15] =	ssyncset.done $0x0  }
0x21: {  	s26 =	simm.s32 $0x0;
	[sflag:s15] =	ssyncadd.s32 $0xFFFFB000  }
.LBB2_2:
0x22: {  	s0 =	simm.s32 $0x0;
	s2 =	simm.s32 $0x0;
	s28 =	simm.s32 $0x200  }
.LBB2_3:
0x23: {  	p1 =	sne.s32 s28, $0x9E00;
	[tilespmem:s2+$0x11870] =	vst v0  }
0x24: {  	[tilespmem:s2+$0x11800] =	vst v0  }
0x25: {  	[tilespmem:s2+$0x11810] =	vst v0  }
.Ltmp0:
0x26: {  	[tilespmem:s2+$0x11820] =	vst v0;
	(pc) =	sbr.rel @p1 .LBB2_3-.Ltmp0, $4  }
0x27: {  	[tilespmem:s2+$0x11830] =	vst v0  }
0x28: {  	[tilespmem:s2+$0x11840] =	vst v0  }
0x29: {  	[tilespmem:s2+$0x11850] =	vst v0  }
0x2a: {  	[tilespmem:s2+$0x11860] =	vst v0;
	s2 =	sshra.s32 s28, $0x2;
	s28 =	sadd.s32 $0x200, s28  }
0x2b: {  	[tilespmem:s2+$0x11870] =	vst v0  }
0x2c: {  	[tilespmem:s2+$0x11800] =	vst v0  }
0x2d: {  	[tilespmem:s2+$0x11810] =	vst v0  }
0x2e: {  	[tilespmem:s2+$0x11820] =	vst v0  }
0x2f: {  	[tilespmem:s2+$0x11830] =	vst v0  }
0x30: {  	[tilespmem:s2+$0x11840] =	vst v0  }
0x31: {  	[tilespmem:s2+$0x11850] =	vst v0  }
0x32: {  	[tilespmem:s2+$0x11860] =	vst v0  }
.LBB2_5:
0x33: {  	s2 =	sshra.s32 s0, $0x2  }
0x34: {  	v1 =	vld [tilespmem:s2+$0x2800];
	_ =	sdelay $0x5  }
0x35: {  	v2 =	vld [tilespmem:s2+$0x7800]  }
0x36: {  	v3 =	vld [tilespmem:s2+$0xC800]  }
0x37: {  	v1 =	vld.idx.msk [tilespmem:v1+s3+$0x0], $0xffff;
	_ =	sdelay $0x4  }
0x38: {  	v1 =	vmul.f32 v1, v3;
	_ =	sdelay $0x1  }
0x39: {  	[tilespmem:v2+s19+$0x0] =	vst.idx.add.f32.msk $0xffff, v1  }
0x3a: {  	v1 =	vld [tilespmem:s2+$0x2810];
	_ =	sdelay $0x5  }
0x3b: {  	v2 =	vld [tilespmem:s2+$0x7810]  }
0x3c: {  	v3 =	vld [tilespmem:s2+$0xC810]  }
0x3d: {  	v1 =	vld.idx.msk [tilespmem:v1+s3+$0x0], $0xffff;
	_ =	sdelay $0x4  }
0x3e: {  	v1 =	vmul.f32 v1, v3;
	_ =	sdelay $0x1  }
0x3f: {  	[tilespmem:v2+s19+$0x0] =	vst.idx.add.f32.msk $0xffff, v1  }
0x40: {  	v1 =	vld [tilespmem:s2+$0x2820];
	_ =	sdelay $0x5  }
0x41: {  	v2 =	vld [tilespmem:s2+$0x7820]  }
0x42: {  	v3 =	vld [tilespmem:s2+$0xC820]  }
0x43: {  	v1 =	vld.idx.msk [tilespmem:v1+s3+$0x0], $0xffff;
	_ =	sdelay $0x4  }
0x44: {  	v1 =	vmul.f32 v1, v3;
	_ =	sdelay $0x1  }
0x45: {  	[tilespmem:v2+s19+$0x0] =	vst.idx.add.f32.msk $0xffff, v1  }
0x46: {  	v1 =	vld [tilespmem:s2+$0x2830];
	_ =	sdelay $0x5  }
0x47: {  	v2 =	vld [tilespmem:s2+$0x7830]  }
0x48: {  	v3 =	vld [tilespmem:s2+$0xC830]  }
0x49: {  	v1 =	vld.idx.msk [tilespmem:v1+s3+$0x0], $0xffff;
	_ =	sdelay $0x4  }
0x4a: {  	v1 =	vmul.f32 v1, v3;
	_ =	sdelay $0x1  }
0x4b: {  	[tilespmem:v2+s19+$0x0] =	vst.idx.add.f32.msk $0xffff, v1  }
0x4c: {  	v1 =	vld [tilespmem:s2+$0x2840];
	_ =	sdelay $0x5  }
0x4d: {  	v2 =	vld [tilespmem:s2+$0x7840]  }
0x4e: {  	v3 =	vld [tilespmem:s2+$0xC840]  }
0x4f: {  	v1 =	vld.idx.msk [tilespmem:v1+s3+$0x0], $0xffff;
	_ =	sdelay $0x4  }
0x50: {  	v1 =	vmul.f32 v1, v3;
	_ =	sdelay $0x1  }
0x51: {  	[tilespmem:v2+s19+$0x0] =	vst.idx.add.f32.msk $0xffff, v1  }
0x52: {  	v1 =	vld [tilespmem:s2+$0x2850];
	_ =	sdelay $0x5  }
0x53: {  	v2 =	vld [tilespmem:s2+$0x7850]  }
0x54: {  	v3 =	vld [tilespmem:s2+$0xC850]  }
0x55: {  	v1 =	vld.idx.msk [tilespmem:v1+s3+$0x0], $0xffff;
	_ =	sdelay $0x4  }
0x56: {  	v1 =	vmul.f32 v1, v3;
	_ =	sdelay $0x1  }
0x57: {  	[tilespmem:v2+s19+$0x0] =	vst.idx.add.f32.msk $0xffff, v1  }
0x58: {  	v1 =	vld [tilespmem:s2+$0x2860];
	_ =	sdelay $0x5  }
0x59: {  	v2 =	vld [tilespmem:s2+$0x7860]  }
0x5a: {  	v3 =	vld [tilespmem:s2+$0xC860]  }
0x5b: {  	v1 =	vld.idx.msk [tilespmem:v1+s3+$0x0], $0xffff;
	_ =	sdelay $0x4  }
0x5c: {  	v1 =	vmul.f32 v1, v3;
	_ =	sdelay $0x1  }
0x5d: {  	[tilespmem:v2+s19+$0x0] =	vst.idx.add.f32.msk $0xffff, v1  }
0x5e: {  	v1 =	vld [tilespmem:s2+$0x2870];
	_ =	sdelay $0x5  }
0x5f: {  	v2 =	vld [tilespmem:s2+$0x7870]  }
0x60: {  	v3 =	vld [tilespmem:s2+$0xC870]  }
0x61: {  	v1 =	vld.idx.msk [tilespmem:v1+s3+$0x0], $0xffff;
	_ =	sdelay $0x1  }
0x62: {  	p1 =	sne.s32 s0, $0x13E00  }
.Ltmp1:
0x63: {  	_ = 	snop;
	(pc) =	sbr.rel @p1 .LBB2_5-.Ltmp1, $3  }
0x64: {  	_ = 	snop  }
0x65: {  	v1 =	vmul.f32 v1, v3;
	_ =	sdelay $0x1  }
0x66: {  	s0 =	sadd.s32 $0x200, s0;
	[tilespmem:v2+s19+$0x0] =	vst.idx.add.f32.msk $0xffff, v1  }
0x67: {  	[spmem:s11] =	stream.strided.scatter [tilespmem:s19], [sflag:$0x1], $0x2800, s21, s20, $0x38;
	[tilespmem:$0x19500] =	vst v63  }
0x68: {  	_ =	swait.ge [sflag:s15], $0x2800  }
0x69: {  	[sflag:s15] =	ssyncset.done $0x0  }
0x6a: {  	[sflag:s15] =	ssyncadd.s32 $0xFFFFD800  }
0x6b: {  	[bflag:$0x0] =	sbarrier.arrive $0xFFFF  }
0x6c: {  	[tilespmem:s23], [sflag:$0x1] =	stream.strided.gather [spmem:s12], $0x2800, s23, s22, $0x38;
	[tilespmem:$0x19500] =	vst v63  }
0x6d: {  	s0 =	simm.s32 $0x0;
	_ =	swait.ge [sflag:s15], $0x2800  }
0x6e: {  	s2 =	sand.u32 $0x70, s0;
	s0 =	sand.u32 $0x1C00, s0;
	[sflag:s15] =	ssyncset.done $0x0  }
0x6f: {  	s0 =	sor.u32 s2, s0;
	[sflag:s15] =	ssyncadd.s32 $0xFFFFD800  }
0x70: {  	v1 =	vld [tilespmem:s0+$0x14080]  }
0x71: {  	v2 =	vld [tilespmem:s0+$0x14000]  }
0x72: {  	v3 =	vld [tilespmem:s0+$0x14100]  }
0x73: {  	v4 =	vld [tilespmem:s0+$0x14180]  }
0x74: {  	v5 =	vld [tilespmem:s0+$0x14200]  }
0x75: {  	v6 =	vld [tilespmem:s0+$0x14280]  }
0x76: {  	v7 =	vld [tilespmem:s0+$0x14300]  }
0x77: {  	v8 =	vld [tilespmem:s0+$0x14380]  }
0x78: {  	v9 =	vld [tilespmem:s0+$0x15400]  }
0x79: {  	v10 =	vld [tilespmem:s0+$0x15480]  }
0x7a: {  	v11 =	vld [tilespmem:s0+$0x15500]  }
0x7b: {  	v12 =	vld [tilespmem:s0+$0x15580]  }
0x7c: {  	v13 =	vld [tilespmem:s0+$0x15600]  }
0x7d: {  	v14 =	vld [tilespmem:s0+$0x15680]  }
0x7e: {  	v15 =	vld [tilespmem:s0+$0x15700]  }
0x7f: {  	v16 =	vld [tilespmem:s0+$0x15780];
	_ =	sdelay $0x1  }
0x80: {  	v1 =	vadd.f32 v1, v2;
	v2 =	vadd.f32 v4, v3  }
0x81: {  	s0 =	sadd.s32 $0x0, s6;
	v3 =	vadd.f32 v6, v5;
	v4 =	vadd.f32 v8, v7  }
0x82: {  	s0 =	sand.u32 $0x7F80, s0;
	v5 =	vadd.f32 v10, v9;
	v6 =	vadd.f32 v12, v11  }
0x83: {  	s0 =	sor.u32 s2, s0;
	v7 =	vadd.f32 v14, v13;
	v8 =	vadd.f32 v16, v15  }
0x84: {  	v1 =	vadd.f32 v2, v1;
	v2 =	vadd.f32 v4, v3;
	v3 =	vld [tilespmem:s0+$0x0]  }
0x85: {  	v4 =	vadd.f32 v6, v5;
	v5 =	vadd.f32 v8, v7;
	_ =	sdelay $0x1  }
0x86: {  	v1 =	vadd.f32 v2, v1;
	v2 =	vadd.f32 v5, v4;
	_ =	sdelay $0x1  }
0x87: {  	v1 =	vadd.f32 v2, v1;
	v2 =	vmul.f32 $8.999999760e-01, v3;
	_ =	sdelay $0x1  }
0x88: {  	v1 =	vadd.f32 v1, v2;
	_ =	sdelay $0x1  }
0x89: {  	v1 =	vadd.f32 v1, v1;
	_ =	sdelay $0x1  }
0x8a: {  	v1 =	vmul.f32 $1.442695020e+00, v1;
	_ =	sdelay $0x1  }
0x8b: {  	(erf) = vpow2.f32 v1;
	_ =	sdelay $0x8  }
0x8c: {  	v1 =	vpop (erf)  }
0x8d: {  	v1 =	vadd.f32 $1.000000000e+00, v1;
	_ =	sdelay $0x1  }
0x8e: {  	(erf) = vrcp.f32 v1;
	_ =	sdelay $0x8  }
0x8f: {  	v1 =	vpop (erf)  }
0x90: {  	v1 =	vadd.f32 v1, v1;
	_ =	sdelay $0x1  }
0x91: {  	s29 =	simm.s32 $0x10;
	s30 =	simm.s32 $0x80;
	v1 =	vsub.f32 $1.000000000e+00, v1  }
0x92: {  	s28 =	simm.s32 $0x16800;
	s2 =	sand.u32 $0x1C00, s30;
	s0 =	sand.u32 $0x70, s29  }
0x93: {  	s2 =	sor.u32 s0, s2;
	[tilespmem:s28+$0x0] =	vst v1  }
0x94: {  	v1 =	vld [tilespmem:s2+$0x14080]  }
0x95: {  	v2 =	vld [tilespmem:s2+$0x14000]  }
0x96: {  	v3 =	vld [tilespmem:s2+$0x14100]  }
0x97: {  	v4 =	vld [tilespmem:s2+$0x14180]  }
0x98: {  	v5 =	vld [tilespmem:s2+$0x14200]  }
0x99: {  	v6 =	vld [tilespmem:s2+$0x14280]  }
0x9a: {  	v7 =	vld [tilespmem:s2+$0x14300]  }
0x9b: {  	v9 =	vld [tilespmem:s2+$0x14380]  }
0x9c: {  	v8 =	vld [tilespmem:s2+$0x15400]  }
0x9d: {  	v10 =	vld [tilespmem:s2+$0x15480]  }
0x9e: {  	v11 =	vld [tilespmem:s2+$0x15500]  }
0x9f: {  	v13 =	vld [tilespmem:s2+$0x15580]  }
0xa0: {  	v12 =	vld [tilespmem:s2+$0x15600]  }
0xa1: {  	s31 =	simm.s32 $0x20;
	v14 =	vld [tilespmem:s2+$0x15680]  }
.LBB2_7:
0xa2: {  	p1 =	sne.s32 s31, $0x270;
	v15 =	vld [tilespmem:s2+$0x15700]  }
0xa3: {  	v16 =	vld [tilespmem:s2+$0x15780];
	_ =	sdelay $0x1  }
0xa4: {  	v1 =	vadd.f32 v1, v2;
	v2 =	vadd.f32 v4, v3  }
0xa5: {  	v3 =	vadd.f32 v6, v5;
	v4 =	vadd.f32 v9, v7;
	s2 =	sadd.s32 s29, s6;
	s29 =	smov.u32 s31  }
0xa6: {  	v5 =	vadd.f32 v10, v8;
	v6 =	vadd.f32 v13, v11;
	s2 =	sand.u32 $0x7F80, s2  }
0xa7: {  	s0 =	sor.u32 s0, s2;
	v7 =	vadd.f32 v14, v12;
	v8 =	vadd.f32 v16, v15  }
0xa8: {  	v1 =	vadd.f32 v2, v1;
	v2 =	vadd.f32 v4, v3;
	v3 =	vld [tilespmem:s0+$0x0]  }
0xa9: {  	v4 =	vadd.f32 v6, v5;
	v5 =	vadd.f32 v8, v7;
	_ =	sdelay $0x1  }
0xaa: {  	v1 =	vadd.f32 v2, v1;
	v2 =	vadd.f32 v5, v4;
	_ =	sdelay $0x1  }
0xab: {  	v1 =	vadd.f32 v2, v1;
	v2 =	vmul.f32 $8.999999760e-01, v3;
	_ =	sdelay $0x1  }
0xac: {  	v1 =	vadd.f32 v1, v2;
	_ =	sdelay $0x1  }
0xad: {  	v1 =	vadd.f32 v1, v1;
	_ =	sdelay $0x1  }
0xae: {  	v1 =	vmul.f32 $1.442695020e+00, v1;
	_ =	sdelay $0x1  }
0xaf: {  	(erf) = vpow2.f32 v1;
	_ =	sdelay $0x8  }
0xb0: {  	v1 =	vpop (erf)  }
0xb1: {  	v1 =	vadd.f32 $1.000000000e+00, v1;
	_ =	sdelay $0x1  }
0xb2: {  	(erf) = vrcp.f32 v1;
	_ =	sdelay $0x8  }
0xb3: {  	v1 =	vpop (erf)  }
0xb4: {  	v1 =	vadd.f32 v1, v1;
	_ =	sdelay $0x1  }
0xb5: {  	s30 =	sadd.s32 $0x80, s30;
	v1 =	vsub.f32 $1.000000000e+00, v1  }
0xb6: {  	s28 =	sadd.s32 $0x10, s28;
	s2 =	sand.u32 $0x1C00, s30;
	s0 =	sand.u32 $0x70, s31  }
0xb7: {  	s2 =	sor.u32 s0, s2;
	[tilespmem:s28+$0x0] =	vst v1  }
0xb8: {  	v1 =	vld [tilespmem:s2+$0x14080]  }
0xb9: {  	v2 =	vld [tilespmem:s2+$0x14000]  }
0xba: {  	v3 =	vld [tilespmem:s2+$0x14100]  }
0xbb: {  	v4 =	vld [tilespmem:s2+$0x14180]  }
0xbc: {  	v5 =	vld [tilespmem:s2+$0x14200]  }
0xbd: {  	v6 =	vld [tilespmem:s2+$0x14280]  }
0xbe: {  	v7 =	vld [tilespmem:s2+$0x14300]  }
0xbf: {  	v9 =	vld [tilespmem:s2+$0x14380]  }
0xc0: {  	v8 =	vld [tilespmem:s2+$0x15400]  }
.Ltmp2:
0xc1: {  	v10 =	vld [tilespmem:s2+$0x15480];
	(pc) =	sbr.rel @p1 .LBB2_7-.Ltmp2, $4  }
0xc2: {  	v11 =	vld [tilespmem:s2+$0x15500]  }
0xc3: {  	v13 =	vld [tilespmem:s2+$0x15580]  }
0xc4: {  	v12 =	vld [tilespmem:s2+$0x15600]  }
0xc5: {  	s31 =	sadd.s32 $0x10, s31;
	v14 =	vld [tilespmem:s2+$0x15680]  }
0xc6: {  	v15 =	vld [tilespmem:s2+$0x15700]  }
0xc7: {  	v16 =	vld [tilespmem:s2+$0x15780];
	_ =	sdelay $0x1  }
0xc8: {  	v1 =	vadd.f32 v1, v2;
	v2 =	vadd.f32 v4, v3  }
0xc9: {  	v3 =	vadd.f32 v6, v5;
	v57 =	vadd.f32 v9, v7;
	s30 =	sadd.s32 s29, s6  }
0xca: {  	v58 =	vadd.f32 v10, v8;
	s2 =	sand.u32 $0x7F80, s30;
	v59 =	vadd.f32 v13, v11  }
0xcb: {  	s0 =	sor.u32 s0, s2;
	v60 =	vadd.f32 v14, v12;
	v61 =	vadd.f32 v16, v15  }
0xcc: {  	v1 =	vadd.f32 v2, v1;
	v2 =	vadd.f32 v57, v3;
	v3 =	vld [tilespmem:s0+$0x0]  }
0xcd: {  	v62 =	vadd.f32 v59, v58;
	v63 =	vadd.f32 v61, v60;
	_ =	sdelay $0x1  }
0xce: {  	v1 =	vadd.f32 v2, v1;
	v2 =	vadd.f32 v63, v62;
	_ =	sdelay $0x1  }
0xcf: {  	v1 =	vadd.f32 v2, v1;
	v2 =	vmul.f32 $8.999999760e-01, v3;
	_ =	sdelay $0x1  }
0xd0: {  	v1 =	vadd.f32 v1, v2;
	_ =	sdelay $0x1  }
0xd1: {  	v1 =	vadd.f32 v1, v1;
	_ =	sdelay $0x1  }
0xd2: {  	v1 =	vmul.f32 $1.442695020e+00, v1;
	_ =	sdelay $0x1  }
0xd3: {  	(erf) = vpow2.f32 v1;
	_ =	sdelay $0x8  }
0xd4: {  	v1 =	vpop (erf)  }
0xd5: {  	v1 =	vadd.f32 $1.000000000e+00, v1;
	_ =	sdelay $0x1  }
0xd6: {  	(erf) = vrcp.f32 v1;
	_ =	sdelay $0x4  }
0xd7: {  	p1 =	slt.u32 @!p0 s26, $0x10  }
0xd8: {  	p1 =	por p1, p0  }
0xd9: {  	s0 =	sadd.s32 @!p1 $0xFFFFFFF0, s26  }
0xda: {  	s0 =	sshrl.u32 @!p1 s0, $0x3  }
0xdb: {  	s0 =	smul.u32 @!p1 $0x14000, s0;
	v1 =	vpop (erf)  }
0xdc: {  	s2 =	sshll.u32 @!p1 s26, $0x7;
	v1 =	vadd.f32 v1, v1  }
0xdd: {  	s2 =	sand.u32 @!p1 $0x380, s2;
	s0 =	sadd.s32 @!p1 s8, s0  }
0xde: {  	s0 =	sor.u32 @!p1 s2, s0;
	v1 =	vsub.f32 $1.000000000e+00, v1  }
0xdf: {  	s31 =	sadd.s32 $0x10, s28;
	s28 =	simm.s32 @!p1 $0x400;
	s0 =	sshrl.u32 @!p1 s0, $0x3  }
0xe0: {  	s29 =	simm.s32 @!p1 $0x16800;
	s2 =	simm.s32 @!p1 $0x80;
	s0 =	sadd.s32 @!p1 s5, s0;
	[tilespmem:s31+$0x0] =	vst v1  }
0xe1: {  	[hbm4b:s0+s2] =	stream.strided.scatter @!p1 [tilespmem:s29], [sflag:$0x1], $0x280, s28, s2, $0x38;
	[tilespmem:$0x19500] =	vst v63  }
0xe2: {  	s0 =	simm.s32 @!p1 $0x1  }
0xe3: {  	_ =	swait.ge @!p1 [sflag:s0], $0x280  }
0xe4: {  	[sflag:s0] =	ssyncset.done @!p1 $0x0  }
0xe5: {  	[sflag:s0] =	ssyncadd.s32 @!p1 $0xFFFFFD80  }
0xe6: {  	[spmem:s13] =	stream.linear.scatter [tilespmem:s24], [sflag:$0x1], $0x280, $0x38;
	[tilespmem:$0x19500] =	vst v63  }
0xe7: {  	_ =	swait.ge [sflag:s15], $0x280  }
0xe8: {  	[sflag:s15] =	ssyncset.done $0x0  }
0xe9: {  	s26 =	sadd.s32 $0x1, s26;
	[sflag:s15] =	ssyncadd.s32 $0xFFFFFD80  }
0xea: {  	p1 =	sne.s32 s26, $0x50;
	[bflag:$0x0] =	sbarrier.arrive $0xFFFF  }
0xeb: {  	[tilespmem:s3], [sflag:$0x1] =	stream.linear.gather [spmem:s1], $0x2800, $0x38;
	[tilespmem:$0x19500] =	vst v63  }
.Ltmp3:
0xec: {  	_ =	swait.ge [sflag:s15], $0x2800;
	(pc) =	sbr.rel @p1 .LBB2_2-.Ltmp3, $3  }
0xed: {  	[sflag:s15] =	ssyncset.done $0x0  }
0xee: {  	[sflag:s15] =	ssyncadd.s32 $0xFFFFD800  }
0xef: {  	[bflag:$0x0] =	sbarrier.arrive $0xFFFF;
	_ =	sdelay $0x1  }
0xf0: {  	s25 =	sadd.s32 $0x1, s25  }
0xf1: {  	p1 =	sne.s32 s25, s14  }
.Ltmp4:
0xf2: {  	_ = 	snop;
	(pc) =	sbr.rel @p1 .LBB2_1-.Ltmp4, $1  }
0xf3: {  	_ =	sdelay $0x3  }
0xf4: {  	_ =	sfence.sel $0x180000  }
0xf5: {  	[bflag:$0x0] =	sbarrier.arrive $0xFFFF  }
0xf6: {  	_ =	strace $0x90000047  }
0xf7: {  	s0 =	stileid.u32;
	[bflag:$0x2] =	sbarrier.arrive $0xFFFF  }
0xf8: {  	p0 =	sne.s32 s0, $0x0;
	s0 =	rddreg [dreg:$0x4]  }
0xf9: {  	s0 =	sadd.s32 @!p0 $0x100000, s0  }
0xfa: {  	[sflag:s0] =	ssyncadd.tile.s32 @!p0 $0x1;
	_ =	shalt  }
.Lfunc_end2:
_tile_overlayer_lowered:
.L_overlay_start_2:
0xfb: {  	(tag) =	ssettag $0x2  }
0xfc: {  	s0 =	rddreg [dreg:$0x0];
	s2 =	stileid.u32  }
0xfd: {  	s1 =	rddreg [dreg:$0x1];
	p0 =	sne.s32 s2, $0x0  }
0xfe: {  	s3 =	rddreg [dreg:$0x2];
	[bflag:$0x3] =	sbarrier.arrive $0xFFFF;
	s2 =	simm.s32 @!p0 $0x1C01  }
0xff: {  	[timem:s3], [sflag:s2] =	dma.local @!p0 [hbm:s0], s1  }
0x100: {  	s0 =	simm.s32 @!p0 $0x1  }
0x101: {  	_ =	swait.ge @!p0 [sflag:s0], s1  }
0x102: {  	s1 =	ssub.s32 @!p0 $0x0, s1;
	[sflag:s0] =	ssyncset.done @!p0 $0x0  }
0x103: {  	[sflag:s0] =	ssyncadd.s32 @!p0 s1  }
0x104: {  	[bflag:$0x3] =	sbarrier.arrive $0xFFFF  }
0x105: {  	_ =	shalt  }

</sc_bundles>
